<compile_context>
chip_gen: v7x
topology: tpu7x:2x2x1
jax: 0.10.2.dev20260603
libtpu: 0.0.44.dev20260713+nightly
codegen_flags: <defaults>
</compile_context>

<pallas_src>
import functools

import jax
import jax.numpy as jnp
from jax import lax
from jax.experimental import pallas as pl
from jax.experimental.pallas import tpu as pltpu
from jax.experimental.pallas import tpu_sc as plsc

_N = 2048
_BOX = 24.0
_HALF = 12.0
_INV_BOX = 1.0 / 24.0
_CUTOFF_SQ = 2.5 * 2.5

_K_E = 8987551787.0
_EV_TO_J = 1.6021e-19
_ASE_C = 6.241509074460763e+18
_ASE_M = 1.0e10
_CONVERSION = _K_E * (_ASE_C ** -2) * (1.0 / _EV_TO_J) * _ASE_M

_INF = float("inf")


_BI = 256
_BJ = 256
_NBLK = _N // _BI
_SPLIT = 1280
_TC_BLKS = _SPLIT // _BI


def _coulomb_body(xi_ref, xjt_ref, q_ref, o_ref):
    gi = pl.program_id(0)

    def chunk_energy(j0, extra_mask):
        xj = xjt_ref[:, pl.ds(j0, _BJ)]
        d2 = jnp.zeros((_BI, _BJ), jnp.float32)
        for k in range(3):
            d = xj[k:k + 1, :] - xi_ref[:, k:k + 1]
            d = d - _BOX * jnp.round(d * _INV_BOX)
            d2 = d2 + d * d
        m = (d2 < _CUTOFF_SQ) & (d2 != 0.0)
        if extra_mask is not None:
            m = m & extra_mask
        qc = q_ref[0:1, pl.ds(j0, _BJ)]
        rinv = jax.lax.rsqrt(jnp.where(m, d2, _INF))
        return jnp.sum(((-_CONVERSION) * qc * qc) * rinv)

    tri = (jax.lax.broadcasted_iota(jnp.int32, (_BI, _BJ), 1)
           > jax.lax.broadcasted_iota(jnp.int32, (_BI, _BJ), 0))
    s0 = chunk_energy(gi * _BI, tri)

    def chunk(c, acc):
        return acc + chunk_energy(c * _BJ, None)

    s = jax.lax.fori_loop(gi + 1, _NBLK, chunk, s0).reshape(1, 1)

    @pl.when(gi == 0)
    def _init():
        o_ref[...] = s

    @pl.when(gi != 0)
    def _accum():
        o_ref[...] += s


def _tc_energy(x, xjt, q):
    return pl.pallas_call(
        _coulomb_body,
        grid=(_TC_BLKS,),
        in_specs=[
            pl.BlockSpec((_BI, 3), lambda i: (i, 0)),
            pl.BlockSpec((3, _N), lambda i: (0, 0)),
            pl.BlockSpec((1, _N), lambda i: (0, 0)),
        ],
        out_specs=pl.BlockSpec((1, 1), lambda i: (0, 0)),
        out_shape=jax.ShapeDtypeStruct((1, 1), jnp.float32),
    )(x, xjt, q)



_L = 16
_NC = 2
_NS = 16
_NW = _NC * _NS
_NVEC = _N // _L
_SC_ROWS = _N - _SPLIT
_ROWS_PER_W = _SC_ROWS // _NW

_mesh = plsc.VectorSubcoreMesh(core_axis_name="c", subcore_axis_name="s")


def _rsqrt_newton(v):
    ib = lax.bitcast_convert_type(v, jnp.int32)
    yi = jnp.int32(0x5F3759DF) - (ib >> 1)
    y = lax.bitcast_convert_type(yi, jnp.float32)
    xh = 0.5 * v
    for _ in range(3):
        y = y * (1.5 - xh * y * y)
    return y


@functools.partial(
    pl.kernel,
    mesh=_mesh,
    out_type=jax.ShapeDtypeStruct((_NW, _L), jnp.float32),
    scratch_types=[
        pltpu.VMEM((_N + _L,), jnp.float32),
        pltpu.VMEM((_N + _L,), jnp.float32),
        pltpu.VMEM((_N + _L,), jnp.float32),
        pltpu.VMEM((_N,), jnp.float32),
        pltpu.VMEM((_L,), jnp.float32),
    ],
)
def _sc_energy(x0_hbm, x1_hbm, x2_hbm, q_hbm, out_hbm, x0v, x1v, x2v, qv, accv):
    wid = lax.axis_index("s") * _NC + lax.axis_index("c")
    pltpu.sync_copy(x0_hbm, x0v.at[pl.ds(0, _N)])
    pltpu.sync_copy(x1_hbm, x1v.at[pl.ds(0, _N)])
    pltpu.sync_copy(x2_hbm, x2v.at[pl.ds(0, _N)])
    pltpu.sync_copy(q_hbm, qv)

    lane = lax.iota(jnp.int32, _L)

    def row_body(r, acc_r):
        i = _SPLIT + wid + r * _NW
        xi0 = x0v[pl.ds(i, _L)][0]
        xi1 = x1v[pl.ds(i, _L)][0]
        xi2 = x2v[pl.ds(i, _L)][0]
        vj0 = i // _L

        def col_body(vj, acc):
            j0 = vj * _L
            jj = lane + j0
            xj0 = x0v[pl.ds(j0, _L)]
            xj1 = x1v[pl.ds(j0, _L)]
            xj2 = x2v[pl.ds(j0, _L)]
            d0 = xj0 - xi0
            d0 = d0 + jnp.where(d0 < -_HALF, _BOX, 0.0) - jnp.where(d0 >= _HALF, _BOX, 0.0)
            d1 = xj1 - xi1
            d1 = d1 + jnp.where(d1 < -_HALF, _BOX, 0.0) - jnp.where(d1 >= _HALF, _BOX, 0.0)
            d2c = xj2 - xi2
            d2c = d2c + jnp.where(d2c < -_HALF, _BOX, 0.0) - jnp.where(d2c >= _HALF, _BOX, 0.0)
            dsq = d0 * d0 + d1 * d1 + d2c * d2c
            m = (dsq < _CUTOFF_SQ) & (dsq != 0.0) & (jj > i)
            rinv = _rsqrt_newton(jnp.where(m, dsq, 1.0))
            qj = qv[pl.ds(j0, _L)]
            e = jnp.where(m, ((-_CONVERSION) * qj * qj) * rinv, 0.0)
            return acc + e

        return lax.fori_loop(vj0, _NVEC, col_body, acc_r)

    acc = lax.fori_loop(0, _ROWS_PER_W, row_body, jnp.zeros((_L,), jnp.float32))
    accv[...] = acc
    pltpu.sync_copy(accv, out_hbm.at[wid])


def kernel(x, charges):
    xjt = x.T
    q = charges.reshape(1, _N)
    sc_partial = _sc_energy(xjt[0], xjt[1], xjt[2], charges)
    tc_out = _tc_energy(x, xjt, q)
    return tc_out[0, 0] + jnp.sum(sc_partial)

# --- scband reference (transcript-rebuilt; emitter-appended) ---
"""Pipeline reference for scband-electrostatics-50903952392740 (READ-ONLY COPY).

The authoritative reference and input builder live on the scoring server;
editing this copy changes nothing except your own understanding.
"""

import jax, jax.numpy as jnp
import numpy as np

N = 2048
BOX = 24.0
CELL = jnp.array([BOX, BOX, BOX], dtype=jnp.float32)
CUTOFF = 2.5

# conversion = k_e * ase.units.C**(-2) * (1/EV_TO_J) * ase.units.m  ~= 14.40 eV*A/e^2
K_E = 8987551787.0
EV_TO_J = 1.6021e-19
ASE_C = 6.241509074460763e+18  # ase.units.C
ASE_M = 1.0e10                 # ase.units.m
CONVERSION = K_E * (ASE_C ** -2) * (1.0 / EV_TO_J) * ASE_M


def setup_inputs(seed: int = 0) -> dict:
    key = jax.random.key(seed)
    k1, k2 = jax.random.split(key)
    x = jax.random.uniform(k1, (N, 3), dtype=jnp.float32) * BOX  # positions inside the box
    charges = jax.random.normal(k2, (N,), dtype=jnp.float32) * 0.5  # per-atom partial charges (ctor arg)
    return {"x": x, "charges": charges}


def _electrostatics(x, charges):
    # generate_nbr_list: full pairwise displacement with minimum-image PBC
    dis_mat = x[None, :, :] - x[:, None, :]
    offsets = -(dis_mat >= 0.5 * CELL).astype(x.dtype) + (dis_mat < -0.5 * CELL).astype(x.dtype)
    dis_mat = dis_mat + offsets * CELL
    dis_sq = jnp.sum(dis_mat ** 2, axis=-1)
    mask = (dis_sq < CUTOFF ** 2) & (dis_sq != 0.0)
    # unique pairs (upper triangle), as in torchmd's generate_nbr_list triu(...).nonzero()
    triu = jnp.triu(jnp.ones((N, N), dtype=bool), k=1)
    pair_mask = mask & triu
    pair_dis = jnp.sqrt(jnp.where(pair_mask, dis_sq, 1.0))
    # NOTE: original code overwrites q1: q1 = charges[nbr_list[:,0]]; q1 = charges[nbr_list[:,1]]
    # so the energy uses charges[j]**2, reproduced faithfully here via column broadcast.
    qj = charges[None, :]
    U = jnp.where(pair_mask, -CONVERSION * (qj * qj) / pair_dis, 0.0)
    return jnp.sum(U)


def reference(x, charges):
    return _electrostatics(x, charges)


if False:  # reference __main__ guard neutralized (emitter)
    out = reference(**setup_inputs())
    print(out)

if __name__ == "__main__":
    import jax
    _d = setup_inputs()
    print(jax.jit(kernel)(*tuple(_d.values())))

</pallas_src>

<mosaic_0001>
#map = affine_map<(d0, d1) -> (0)>
#map1 = affine_map<(d0, d1) -> (0, 0)>
module attributes {stable_mosaic.version = 14 : i64} {
  func.func @_sc_energy(%arg0: i32, %arg1: i32, %arg2: memref<2048xf32, #tpu.memory_space<hbm>>, %arg3: memref<2048xf32, #tpu.memory_space<hbm>>, %arg4: memref<2048xf32, #tpu.memory_space<hbm>>, %arg5: memref<2048xf32, #tpu.memory_space<hbm>>, %arg6: memref<32x16xf32, #tpu.memory_space<hbm>>, %arg7: memref<2064xf32, #tpu.memory_space<vmem>>, %arg8: memref<2064xf32, #tpu.memory_space<vmem>>, %arg9: memref<2064xf32, #tpu.memory_space<vmem>>, %arg10: memref<2048xf32, #tpu.memory_space<vmem>>, %arg11: memref<16xf32, #tpu.memory_space<vmem>>) attributes {dimension_semantics = [#tpu.dimension_semantics<core_parallel>, #tpu.dimension_semantics<subcore_parallel>], iteration_bounds = array<i64: 2, 16>, scalar_prefetch = 0 : i64, scratch_operands = 5 : i64, tpu.core_type = #tpu.core_type<sc_vector_subcore>, window_params = [{transform_indices = #map}, {transform_indices = #map}, {transform_indices = #map}, {transform_indices = #map}, {transform_indices = #map1}]} {
    %mul3A = arith.constant 2 : i32
    %mul3A_0 = arith.muli %arg1, %mul3A : i32
    %add3A = arith.addi %mul3A_0, %arg0 : i32
    "tpu.region"() ({
      %run_scoped3A = tpu.sem_alloc : memref<!tpu.dma_semaphore, #tpu.memory_space<semaphore_mem>>
      %dma_start3A = arith.constant 0 : i32
      %dma_start3A_10 = tpu.memref_slice %arg7[%dma_start3A] : memref<2064xf32, #tpu.memory_space<vmem>> -> memref<2048xf32, #tpu.memory_space<vmem>>
      %dma_start3A_11 = arith.constant 0 : i32
      %dma_start3A_12 = tpu.memref_slice %arg7[%dma_start3A_11] : memref<2064xf32, #tpu.memory_space<vmem>> -> memref<2048xf32, #tpu.memory_space<vmem>>
      tpu.enqueue_dma source(%arg2 : memref<2048xf32, #tpu.memory_space<hbm>>) target(%dma_start3A_12 : memref<2048xf32, #tpu.memory_space<vmem>>) target_semaphore(%run_scoped3A : memref<!tpu.dma_semaphore, #tpu.memory_space<semaphore_mem>>)
      %dma_wait3A = arith.constant 0 : i32
      %dma_wait3A_13 = tpu.memref_slice %arg7[%dma_wait3A] : memref<2064xf32, #tpu.memory_space<vmem>> -> memref<2048xf32, #tpu.memory_space<vmem>>
      %dma_wait3A_14 = arith.constant 0 : i32
      %dma_wait3A_15 = tpu.memref_slice %arg7[%dma_wait3A_14] : memref<2064xf32, #tpu.memory_space<vmem>> -> memref<2048xf32, #tpu.memory_space<vmem>>
      tpu.wait_dma2 semaphore(%run_scoped3A : memref<!tpu.dma_semaphore, #tpu.memory_space<semaphore_mem>>) src(%arg2 : memref<2048xf32, #tpu.memory_space<hbm>>) dst(%dma_wait3A_15 : memref<2048xf32, #tpu.memory_space<vmem>>)
      tpu.yield
    }) : () -> ()
    "tpu.region"() ({
      %run_scoped3A = tpu.sem_alloc : memref<!tpu.dma_semaphore, #tpu.memory_space<semaphore_mem>>
      %dma_start3A = arith.constant 0 : i32
      %dma_start3A_10 = tpu.memref_slice %arg8[%dma_start3A] : memref<2064xf32, #tpu.memory_space<vmem>> -> memref<2048xf32, #tpu.memory_space<vmem>>
      %dma_start3A_11 = arith.constant 0 : i32
      %dma_start3A_12 = tpu.memref_slice %arg8[%dma_start3A_11] : memref<2064xf32, #tpu.memory_space<vmem>> -> memref<2048xf32, #tpu.memory_space<vmem>>
      tpu.enqueue_dma source(%arg3 : memref<2048xf32, #tpu.memory_space<hbm>>) target(%dma_start3A_12 : memref<2048xf32, #tpu.memory_space<vmem>>) target_semaphore(%run_scoped3A : memref<!tpu.dma_semaphore, #tpu.memory_space<semaphore_mem>>)
      %dma_wait3A = arith.constant 0 : i32
      %dma_wait3A_13 = tpu.memref_slice %arg8[%dma_wait3A] : memref<2064xf32, #tpu.memory_space<vmem>> -> memref<2048xf32, #tpu.memory_space<vmem>>
      %dma_wait3A_14 = arith.constant 0 : i32
      %dma_wait3A_15 = tpu.memref_slice %arg8[%dma_wait3A_14] : memref<2064xf32, #tpu.memory_space<vmem>> -> memref<2048xf32, #tpu.memory_space<vmem>>
      tpu.wait_dma2 semaphore(%run_scoped3A : memref<!tpu.dma_semaphore, #tpu.memory_space<semaphore_mem>>) src(%arg3 : memref<2048xf32, #tpu.memory_space<hbm>>) dst(%dma_wait3A_15 : memref<2048xf32, #tpu.memory_space<vmem>>)
      tpu.yield
    }) : () -> ()
    "tpu.region"() ({
      %run_scoped3A = tpu.sem_alloc : memref<!tpu.dma_semaphore, #tpu.memory_space<semaphore_mem>>
      %dma_start3A = arith.constant 0 : i32
      %dma_start3A_10 = tpu.memref_slice %arg9[%dma_start3A] : memref<2064xf32, #tpu.memory_space<vmem>> -> memref<2048xf32, #tpu.memory_space<vmem>>
      %dma_start3A_11 = arith.constant 0 : i32
      %dma_start3A_12 = tpu.memref_slice %arg9[%dma_start3A_11] : memref<2064xf32, #tpu.memory_space<vmem>> -> memref<2048xf32, #tpu.memory_space<vmem>>
      tpu.enqueue_dma source(%arg4 : memref<2048xf32, #tpu.memory_space<hbm>>) target(%dma_start3A_12 : memref<2048xf32, #tpu.memory_space<vmem>>) target_semaphore(%run_scoped3A : memref<!tpu.dma_semaphore, #tpu.memory_space<semaphore_mem>>)
      %dma_wait3A = arith.constant 0 : i32
      %dma_wait3A_13 = tpu.memref_slice %arg9[%dma_wait3A] : memref<2064xf32, #tpu.memory_space<vmem>> -> memref<2048xf32, #tpu.memory_space<vmem>>
      %dma_wait3A_14 = arith.constant 0 : i32
      %dma_wait3A_15 = tpu.memref_slice %arg9[%dma_wait3A_14] : memref<2064xf32, #tpu.memory_space<vmem>> -> memref<2048xf32, #tpu.memory_space<vmem>>
      tpu.wait_dma2 semaphore(%run_scoped3A : memref<!tpu.dma_semaphore, #tpu.memory_space<semaphore_mem>>) src(%arg4 : memref<2048xf32, #tpu.memory_space<hbm>>) dst(%dma_wait3A_15 : memref<2048xf32, #tpu.memory_space<vmem>>)
      tpu.yield
    }) : () -> ()
    "tpu.region"() ({
      %run_scoped3A = tpu.sem_alloc : memref<!tpu.dma_semaphore, #tpu.memory_space<semaphore_mem>>
      tpu.enqueue_dma source(%arg5 : memref<2048xf32, #tpu.memory_space<hbm>>) target(%arg10 : memref<2048xf32, #tpu.memory_space<vmem>>) target_semaphore(%run_scoped3A : memref<!tpu.dma_semaphore, #tpu.memory_space<semaphore_mem>>)
      tpu.wait_dma2 semaphore(%run_scoped3A : memref<!tpu.dma_semaphore, #tpu.memory_space<semaphore_mem>>) src(%arg5 : memref<2048xf32, #tpu.memory_space<hbm>>) dst(%arg10 : memref<2048xf32, #tpu.memory_space<vmem>>)
      tpu.yield
    }) : () -> ()
    %iota3A = tpu.iota {dimensions = array<i32: 0>} : vector<16xi32>
    %broadcast_in_dim3A = arith.constant 0.000000e+00 : f32
    %broadcast_in_dim3A_1 = vector.broadcast %broadcast_in_dim3A : f32 to vector<16xf32>
    %scan3A = arith.constant 0 : i32
    %scan3A_2 = arith.constant 24 : i32
    %scan3A_3 = arith.addi %scan3A, %scan3A_2 : i32
    %scan3A_4 = arith.constant 1 : i32
    %scan3A_5 = scf.for %scan3A_10 = %scan3A to %scan3A_3 step %scan3A_4 iter_args(%scan3A_11 = %broadcast_in_dim3A_1) -> (vector<16xf32>)  : i32 {
      %add3A_12 = arith.constant 1280 : i32
      %add3A_13 = arith.addi %add3A_12, %add3A : i32
      %mul3A_14 = arith.constant 32 : i32
      %mul3A_15 = arith.muli %scan3A_10, %mul3A_14 : i32
      %add3A_16 = arith.addi %add3A_13, %mul3A_15 : i32
      %get3A = arith.index_cast %add3A_16 : i32 to index
      %get3A_17 = tpu.vector_load %arg7[%get3A] {strides = array<i32>} : memref<2064xf32, #tpu.memory_space<vmem>>, vector<16xf32>,
      %get3A_18 = vector.shape_cast %get3A_17 : vector<16xf32> to vector<16xf32>
      %slice3A = vector.extract_strided_slice %get3A_18 {offsets = [0], sizes = [1], strides = [1]} : vector<16xf32> to vector<1xf32>
      %squeeze3A = vector.extract %slice3A[0] : f32 from vector<1xf32>
      %get3A_19 = arith.index_cast %add3A_16 : i32 to index
      %get3A_20 = tpu.vector_load %arg8[%get3A_19] {strides = array<i32>} : memref<2064xf32, #tpu.memory_space<vmem>>, vector<16xf32>,
      %get3A_21 = vector.shape_cast %get3A_20 : vector<16xf32> to vector<16xf32>
      %slice3A_22 = vector.extract_strided_slice %get3A_21 {offsets = [0], sizes = [1], strides = [1]} : vector<16xf32> to vector<1xf32>
      %squeeze3A_23 = vector.extract %slice3A_22[0] : f32 from vector<1xf32>
      %get3A_24 = arith.index_cast %add3A_16 : i32 to index
      %get3A_25 = tpu.vector_load %arg9[%get3A_24] {strides = array<i32>} : memref<2064xf32, #tpu.memory_space<vmem>>, vector<16xf32>,
      %get3A_26 = vector.shape_cast %get3A_25 : vector<16xf32> to vector<16xf32>
      %slice3A_27 = vector.extract_strided_slice %get3A_26 {offsets = [0], sizes = [1], strides = [1]} : vector<16xf32> to vector<1xf32>
      %squeeze3A_28 = vector.extract %slice3A_27[0] : f32 from vector<1xf32>
      %jit3A = arith.constant 16 : i32
      %div3A = arith.divsi %add3A_16, %jit3A : i32
      %sign3A = arith.constant 0 : i32
      %sign3A_29 = arith.cmpi sgt, %add3A_16, %sign3A : i32
      %sign3A_30 = arith.extui %sign3A_29 : i1 to i32
      %sign3A_31 = arith.constant 0 : i32
      %sign3A_32 = arith.cmpi slt, %add3A_16, %sign3A_31 : i32
      %sign3A_33 = arith.extui %sign3A_32 : i1 to i32
      %sign3A_34 = arith.subi %sign3A_30, %sign3A_33 : i32
      %sign3A_35 = arith.constant 0 : i32
      %sign3A_36 = arith.cmpi sgt, %jit3A, %sign3A_35 : i32
      %sign3A_37 = arith.extui %sign3A_36 : i1 to i32
      %sign3A_38 = arith.constant 0 : i32
      %sign3A_39 = arith.cmpi slt, %jit3A, %sign3A_38 : i32
      %sign3A_40 = arith.extui %sign3A_39 : i1 to i32
      %sign3A_41 = arith.subi %sign3A_37, %sign3A_40 : i32
      %ne3A = arith.cmpi ne, %sign3A_34, %sign3A_41 : i32
      %rem3A = arith.remsi %add3A_16, %jit3A : i32
      %ne3A_42 = arith.constant 0 : i32
      %ne3A_43 = arith.cmpi ne, %rem3A, %ne3A_42 : i32
      %and3A = arith.andi %ne3A, %ne3A_43 : i1
      %sub3A = arith.constant 1 : i32
      %sub3A_44 = arith.subi %div3A, %sub3A : i32
      %select_n3A = arith.select %and3A, %sub3A_44, %div3A : i32
      %while3A = arith.constant 128 : i32
      %while3A_45 = arith.subi %while3A, %select_n3A : i32
      %while3A_46 = arith.addi %select_n3A, %while3A_45 : i32
      %while3A_47 = arith.constant 1 : i32
      %while3A_48 = arith.divsi %while3A_45, %while3A_47 : i32
      %while3A_49 = arith.muli %while3A_48, %while3A_47 : i32
      %while3A_50 = arith.addi %select_n3A, %while3A_49 : i32
      %while3A_51 = arith.constant 1 : i32
      %while3A_52 = scf.for %while3A_55 = %select_n3A to %while3A_50 step %while3A_51 iter_args(%while3A_56 = %scan3A_11) -> (vector<16xf32>)  : i32 {
        %mul3A_57 = arith.constant 16 : i32
        %mul3A_58 = arith.muli %while3A_55, %mul3A_57 : i32
        %add3A_59 = vector.broadcast %mul3A_58 : i32 to vector<16xi32>
        %add3A_60 = arith.addi %iota3A, %add3A_59 : vector<16xi32>
        %get3A_61 = arith.index_cast %mul3A_58 : i32 to index
        %get3A_62 = tpu.vector_load %arg7[%get3A_61] {strides = array<i32>} : memref<2064xf32, #tpu.memory_space<vmem>>, vector<16xf32>,
        %get3A_63 = vector.shape_cast %get3A_62 : vector<16xf32> to vector<16xf32>
        %get3A_64 = arith.index_cast %mul3A_58 : i32 to index
        %get3A_65 = tpu.vector_load %arg8[%get3A_64] {strides = array<i32>} : memref<2064xf32, #tpu.memory_space<vmem>>, vector<16xf32>,
        %get3A_66 = vector.shape_cast %get3A_65 : vector<16xf32> to vector<16xf32>
        %get3A_67 = arith.index_cast %mul3A_58 : i32 to index
        %get3A_68 = tpu.vector_load %arg9[%get3A_67] {strides = array<i32>} : memref<2064xf32, #tpu.memory_space<vmem>>, vector<16xf32>,
        %get3A_69 = vector.shape_cast %get3A_68 : vector<16xf32> to vector<16xf32>
        %sub3A_70 = vector.broadcast %squeeze3A : f32 to vector<16xf32>
        %sub3A_71 = arith.subf %get3A_63, %sub3A_70 : vector<16xf32>
        %lt3A = arith.constant -1.200000e+01 : f32
        %lt3A_72 = vector.broadcast %lt3A : f32 to vector<16xf32>
        %lt3A_73 = arith.cmpf olt, %sub3A_71, %lt3A_72 : vector<16xf32>
        %jit3A_74 = arith.constant 2.400000e+01 : f32
        %jit3A_75 = arith.constant 0.000000e+00 : f32
        %broadcast_in_dim3A_76 = vector.broadcast %jit3A_74 : f32 to vector<16xf32>
        %broadcast_in_dim3A_77 = vector.broadcast %jit3A_75 : f32 to vector<16xf32>
        %select_n3A_78 = arith.select %lt3A_73, %broadcast_in_dim3A_76, %broadcast_in_dim3A_77 : vector<16xi1>, vector<16xf32>
        %add3A_79 = arith.addf %sub3A_71, %select_n3A_78 : vector<16xf32>
        %ge3A = arith.constant 1.200000e+01 : f32
        %ge3A_80 = vector.broadcast %ge3A : f32 to vector<16xf32>
        %ge3A_81 = arith.cmpf oge, %sub3A_71, %ge3A_80 : vector<16xf32>
        %jit3A_82 = arith.constant 2.400000e+01 : f32
        %jit3A_83 = arith.constant 0.000000e+00 : f32
        %broadcast_in_dim3A_84 = vector.broadcast %jit3A_82 : f32 to vector<16xf32>
        %broadcast_in_dim3A_85 = vector.broadcast %jit3A_83 : f32 to vector<16xf32>
        %select_n3A_86 = arith.select %ge3A_81, %broadcast_in_dim3A_84, %broadcast_in_dim3A_85 : vector<16xi1>, vector<16xf32>
        %sub3A_87 = arith.subf %add3A_79, %select_n3A_86 : vector<16xf32>
        %sub3A_88 = vector.broadcast %squeeze3A_23 : f32 to vector<16xf32>
        %sub3A_89 = arith.subf %get3A_66, %sub3A_88 : vector<16xf32>
        %lt3A_90 = arith.constant -1.200000e+01 : f32
        %lt3A_91 = vector.broadcast %lt3A_90 : f32 to vector<16xf32>
        %lt3A_92 = arith.cmpf olt, %sub3A_89, %lt3A_91 : vector<16xf32>
        %jit3A_93 = arith.constant 2.400000e+01 : f32
        %jit3A_94 = arith.constant 0.000000e+00 : f32
        %broadcast_in_dim3A_95 = vector.broadcast %jit3A_93 : f32 to vector<16xf32>
        %broadcast_in_dim3A_96 = vector.broadcast %jit3A_94 : f32 to vector<16xf32>
        %select_n3A_97 = arith.select %lt3A_92, %broadcast_in_dim3A_95, %broadcast_in_dim3A_96 : vector<16xi1>, vector<16xf32>
        %add3A_98 = arith.addf %sub3A_89, %select_n3A_97 : vector<16xf32>
        %ge3A_99 = arith.constant 1.200000e+01 : f32
        %ge3A_100 = vector.broadcast %ge3A_99 : f32 to vector<16xf32>
        %ge3A_101 = arith.cmpf oge, %sub3A_89, %ge3A_100 : vector<16xf32>
        %jit3A_102 = arith.constant 2.400000e+01 : f32
        %jit3A_103 = arith.constant 0.000000e+00 : f32
        %broadcast_in_dim3A_104 = vector.broadcast %jit3A_102 : f32 to vector<16xf32>
        %broadcast_in_dim3A_105 = vector.broadcast %jit3A_103 : f32 to vector<16xf32>
        %select_n3A_106 = arith.select %ge3A_101, %broadcast_in_dim3A_104, %broadcast_in_dim3A_105 : vector<16xi1>, vector<16xf32>
        %sub3A_107 = arith.subf %add3A_98, %select_n3A_106 : vector<16xf32>
        %sub3A_108 = vector.broadcast %squeeze3A_28 : f32 to vector<16xf32>
        %sub3A_109 = arith.subf %get3A_69, %sub3A_108 : vector<16xf32>
        %lt3A_110 = arith.constant -1.200000e+01 : f32
        %lt3A_111 = vector.broadcast %lt3A_110 : f32 to vector<16xf32>
        %lt3A_112 = arith.cmpf olt, %sub3A_109, %lt3A_111 : vector<16xf32>
        %jit3A_113 = arith.constant 2.400000e+01 : f32
        %jit3A_114 = arith.constant 0.000000e+00 : f32
        %broadcast_in_dim3A_115 = vector.broadcast %jit3A_113 : f32 to vector<16xf32>
        %broadcast_in_dim3A_116 = vector.broadcast %jit3A_114 : f32 to vector<16xf32>
        %select_n3A_117 = arith.select %lt3A_112, %broadcast_in_dim3A_115, %broadcast_in_dim3A_116 : vector<16xi1>, vector<16xf32>
        %add3A_118 = arith.addf %sub3A_109, %select_n3A_117 : vector<16xf32>
        %ge3A_119 = arith.constant 1.200000e+01 : f32
        %ge3A_120 = vector.broadcast %ge3A_119 : f32 to vector<16xf32>
        %ge3A_121 = arith.cmpf oge, %sub3A_109, %ge3A_120 : vector<16xf32>
        %jit3A_122 = arith.constant 2.400000e+01 : f32
        %jit3A_123 = arith.constant 0.000000e+00 : f32
        %broadcast_in_dim3A_124 = vector.broadcast %jit3A_122 : f32 to vector<16xf32>
        %broadcast_in_dim3A_125 = vector.broadcast %jit3A_123 : f32 to vector<16xf32>
        %select_n3A_126 = arith.select %ge3A_121, %broadcast_in_dim3A_124, %broadcast_in_dim3A_125 : vector<16xi1>, vector<16xf32>
        %sub3A_127 = arith.subf %add3A_118, %select_n3A_126 : vector<16xf32>
        %mul3A_128 = arith.mulf %sub3A_87, %sub3A_87 : vector<16xf32>
        %mul3A_129 = arith.mulf %sub3A_107, %sub3A_107 : vector<16xf32>
        %add3A_130 = arith.addf %mul3A_128, %mul3A_129 : vector<16xf32>
        %mul3A_131 = arith.mulf %sub3A_127, %sub3A_127 : vector<16xf32>
        %add3A_132 = arith.addf %add3A_130, %mul3A_131 : vector<16xf32>
        %lt3A_133 = arith.constant 6.250000e+00 : f32
        %lt3A_134 = vector.broadcast %lt3A_133 : f32 to vector<16xf32>
        %lt3A_135 = arith.cmpf olt, %add3A_132, %lt3A_134 : vector<16xf32>
        %ne3A_136 = arith.constant 0.000000e+00 : f32
        %ne3A_137 = vector.broadcast %ne3A_136 : f32 to vector<16xf32>
        %ne3A_138 = arith.cmpf one, %add3A_132, %ne3A_137 : vector<16xf32>
        %and3A_139 = arith.andi %lt3A_135, %ne3A_138 : vector<16xi1>
        %gt3A = vector.broadcast %add3A_16 : i32 to vector<16xi32>
        %gt3A_140 = arith.cmpi sgt, %add3A_60, %gt3A : vector<16xi32>
        %and3A_141 = arith.andi %and3A_139, %gt3A_140 : vector<16xi1>
        %jit3A_142 = arith.constant 1.000000e+00 : f32
        %broadcast_in_dim3A_143 = vector.broadcast %jit3A_142 : f32 to vector<16xf32>
        %select_n3A_144 = arith.select %and3A_141, %add3A_132, %broadcast_in_dim3A_143 : vector<16xi1>, vector<16xf32>
        %bitcast_convert_type3A = tpu.bitcast %select_n3A_144 : vector<16xf32> -> vector<16xi32>
        %shift_right_arithmetic3A = arith.constant 1 : i32
        %shift_right_arithmetic3A_145 = vector.broadcast %shift_right_arithmetic3A : i32 to vector<16xi32>
        %shift_right_arithmetic3A_146 = arith.shrsi %bitcast_convert_type3A, %shift_right_arithmetic3A_145 : vector<16xi32>
        %sub3A_147 = arith.constant 1597463007 : i32
        %sub3A_148 = vector.broadcast %sub3A_147 : i32 to vector<16xi32>
        %sub3A_149 = arith.subi %sub3A_148, %shift_right_arithmetic3A_146 : vector<16xi32>
        %bitcast_convert_type3A_150 = tpu.bitcast %sub3A_149 : vector<16xi32> -> vector<16xf32>
        %mul3A_151 = arith.constant 5.000000e-01 : f32
        %mul3A_152 = vector.broadcast %mul3A_151 : f32 to vector<16xf32>
        %mul3A_153 = arith.mulf %mul3A_152, %select_n3A_144 : vector<16xf32>
        %mul3A_154 = arith.mulf %mul3A_153, %bitcast_convert_type3A_150 : vector<16xf32>
        %mul3A_155 = arith.mulf %mul3A_154, %bitcast_convert_type3A_150 : vector<16xf32>
        %sub3A_156 = arith.constant 1.500000e+00 : f32
        %sub3A_157 = vector.broadcast %sub3A_156 : f32 to vector<16xf32>
        %sub3A_158 = arith.subf %sub3A_157, %mul3A_155 : vector<16xf32>
        %mul3A_159 = arith.mulf %bitcast_convert_type3A_150, %sub3A_158 : vector<16xf32>
        %mul3A_160 = arith.mulf %mul3A_153, %mul3A_159 : vector<16xf32>
        %mul3A_161 = arith.mulf %mul3A_160, %mul3A_159 : vector<16xf32>
        %sub3A_162 = arith.constant 1.500000e+00 : f32
        %sub3A_163 = vector.broadcast %sub3A_162 : f32 to vector<16xf32>
        %sub3A_164 = arith.subf %sub3A_163, %mul3A_161 : vector<16xf32>
        %mul3A_165 = arith.mulf %mul3A_159, %sub3A_164 : vector<16xf32>
        %mul3A_166 = arith.mulf %mul3A_153, %mul3A_165 : vector<16xf32>
        %mul3A_167 = arith.mulf %mul3A_166, %mul3A_165 : vector<16xf32>
        %sub3A_168 = arith.constant 1.500000e+00 : f32
        %sub3A_169 = vector.broadcast %sub3A_168 : f32 to vector<16xf32>
        %sub3A_170 = arith.subf %sub3A_169, %mul3A_167 : vector<16xf32>
        %mul3A_171 = arith.mulf %mul3A_165, %sub3A_170 : vector<16xf32>
        %get3A_172 = arith.index_cast %mul3A_58 : i32 to index
        %get3A_173 = tpu.vector_load %arg10[%get3A_172] {strides = array<i32>} : memref<2048xf32, #tpu.memory_space<vmem>>, vector<16xf32>,
        %get3A_174 = vector.shape_cast %get3A_173 : vector<16xf32> to vector<16xf32>
        %mul3A_175 = arith.constant -14.4003344 : f32
        %mul3A_176 = vector.broadcast %mul3A_175 : f32 to vector<16xf32>
        %mul3A_177 = arith.mulf %mul3A_176, %get3A_174 : vector<16xf32>
        %mul3A_178 = arith.mulf %mul3A_177, %get3A_174 : vector<16xf32>
        %mul3A_179 = arith.mulf %mul3A_178, %mul3A_171 : vector<16xf32>
        %jit3A_180 = arith.constant 0.000000e+00 : f32
        %broadcast_in_dim3A_181 = vector.broadcast %jit3A_180 : f32 to vector<16xf32>
        %select_n3A_182 = arith.select %and3A_141, %mul3A_179, %broadcast_in_dim3A_181 : vector<16xi1>, vector<16xf32>
        %add3A_183 = arith.addf %while3A_56, %select_n3A_182 : vector<16xf32>
        scf.yield %add3A_183 : vector<16xf32>
      }
      %while3A_53 = arith.constant 1 : i32
      %while3A_54 = scf.for %while3A_55 = %while3A_50 to %while3A_46 step %while3A_53 iter_args(%while3A_56 = %while3A_52) -> (vector<16xf32>)  : i32 {
        %mul3A_57 = arith.constant 16 : i32
        %mul3A_58 = arith.muli %while3A_55, %mul3A_57 : i32
        %add3A_59 = vector.broadcast %mul3A_58 : i32 to vector<16xi32>
        %add3A_60 = arith.addi %iota3A, %add3A_59 : vector<16xi32>
        %get3A_61 = arith.index_cast %mul3A_58 : i32 to index
        %get3A_62 = tpu.vector_load %arg7[%get3A_61] {strides = array<i32>} : memref<2064xf32, #tpu.memory_space<vmem>>, vector<16xf32>,
        %get3A_63 = vector.shape_cast %get3A_62 : vector<16xf32> to vector<16xf32>
        %get3A_64 = arith.index_cast %mul3A_58 : i32 to index
        %get3A_65 = tpu.vector_load %arg8[%get3A_64] {strides = array<i32>} : memref<2064xf32, #tpu.memory_space<vmem>>, vector<16xf32>,
        %get3A_66 = vector.shape_cast %get3A_65 : vector<16xf32> to vector<16xf32>
        %get3A_67 = arith.index_cast %mul3A_58 : i32 to index
        %get3A_68 = tpu.vector_load %arg9[%get3A_67] {strides = array<i32>} : memref<2064xf32, #tpu.memory_space<vmem>>, vector<16xf32>,
        %get3A_69 = vector.shape_cast %get3A_68 : vector<16xf32> to vector<16xf32>
        %sub3A_70 = vector.broadcast %squeeze3A : f32 to vector<16xf32>
        %sub3A_71 = arith.subf %get3A_63, %sub3A_70 : vector<16xf32>
        %lt3A = arith.constant -1.200000e+01 : f32
        %lt3A_72 = vector.broadcast %lt3A : f32 to vector<16xf32>
        %lt3A_73 = arith.cmpf olt, %sub3A_71, %lt3A_72 : vector<16xf32>
        %jit3A_74 = arith.constant 2.400000e+01 : f32
        %jit3A_75 = arith.constant 0.000000e+00 : f32
        %broadcast_in_dim3A_76 = vector.broadcast %jit3A_74 : f32 to vector<16xf32>
        %broadcast_in_dim3A_77 = vector.broadcast %jit3A_75 : f32 to vector<16xf32>
        %select_n3A_78 = arith.select %lt3A_73, %broadcast_in_dim3A_76, %broadcast_in_dim3A_77 : vector<16xi1>, vector<16xf32>
        %add3A_79 = arith.addf %sub3A_71, %select_n3A_78 : vector<16xf32>
        %ge3A = arith.constant 1.200000e+01 : f32
        %ge3A_80 = vector.broadcast %ge3A : f32 to vector<16xf32>
        %ge3A_81 = arith.cmpf oge, %sub3A_71, %ge3A_80 : vector<16xf32>
        %jit3A_82 = arith.constant 2.400000e+01 : f32
        %jit3A_83 = arith.constant 0.000000e+00 : f32
        %broadcast_in_dim3A_84 = vector.broadcast %jit3A_82 : f32 to vector<16xf32>
        %broadcast_in_dim3A_85 = vector.broadcast %jit3A_83 : f32 to vector<16xf32>
        %select_n3A_86 = arith.select %ge3A_81, %broadcast_in_dim3A_84, %broadcast_in_dim3A_85 : vector<16xi1>, vector<16xf32>
        %sub3A_87 = arith.subf %add3A_79, %select_n3A_86 : vector<16xf32>
        %sub3A_88 = vector.broadcast %squeeze3A_23 : f32 to vector<16xf32>
        %sub3A_89 = arith.subf %get3A_66, %sub3A_88 : vector<16xf32>
        %lt3A_90 = arith.constant -1.200000e+01 : f32
        %lt3A_91 = vector.broadcast %lt3A_90 : f32 to vector<16xf32>
        %lt3A_92 = arith.cmpf olt, %sub3A_89, %lt3A_91 : vector<16xf32>
        %jit3A_93 = arith.constant 2.400000e+01 : f32
        %jit3A_94 = arith.constant 0.000000e+00 : f32
        %broadcast_in_dim3A_95 = vector.broadcast %jit3A_93 : f32 to vector<16xf32>
        %broadcast_in_dim3A_96 = vector.broadcast %jit3A_94 : f32 to vector<16xf32>
        %select_n3A_97 = arith.select %lt3A_92, %broadcast_in_dim3A_95, %broadcast_in_dim3A_96 : vector<16xi1>, vector<16xf32>
        %add3A_98 = arith.addf %sub3A_89, %select_n3A_97 : vector<16xf32>
        %ge3A_99 = arith.constant 1.200000e+01 : f32
        %ge3A_100 = vector.broadcast %ge3A_99 : f32 to vector<16xf32>
        %ge3A_101 = arith.cmpf oge, %sub3A_89, %ge3A_100 : vector<16xf32>
        %jit3A_102 = arith.constant 2.400000e+01 : f32
        %jit3A_103 = arith.constant 0.000000e+00 : f32
        %broadcast_in_dim3A_104 = vector.broadcast %jit3A_102 : f32 to vector<16xf32>
        %broadcast_in_dim3A_105 = vector.broadcast %jit3A_103 : f32 to vector<16xf32>
        %select_n3A_106 = arith.select %ge3A_101, %broadcast_in_dim3A_104, %broadcast_in_dim3A_105 : vector<16xi1>, vector<16xf32>
        %sub3A_107 = arith.subf %add3A_98, %select_n3A_106 : vector<16xf32>
        %sub3A_108 = vector.broadcast %squeeze3A_28 : f32 to vector<16xf32>
        %sub3A_109 = arith.subf %get3A_69, %sub3A_108 : vector<16xf32>
        %lt3A_110 = arith.constant -1.200000e+01 : f32
        %lt3A_111 = vector.broadcast %lt3A_110 : f32 to vector<16xf32>
        %lt3A_112 = arith.cmpf olt, %sub3A_109, %lt3A_111 : vector<16xf32>
        %jit3A_113 = arith.constant 2.400000e+01 : f32
        %jit3A_114 = arith.constant 0.000000e+00 : f32
        %broadcast_in_dim3A_115 = vector.broadcast %jit3A_113 : f32 to vector<16xf32>
        %broadcast_in_dim3A_116 = vector.broadcast %jit3A_114 : f32 to vector<16xf32>
        %select_n3A_117 = arith.select %lt3A_112, %broadcast_in_dim3A_115, %broadcast_in_dim3A_116 : vector<16xi1>, vector<16xf32>
        %add3A_118 = arith.addf %sub3A_109, %select_n3A_117 : vector<16xf32>
        %ge3A_119 = arith.constant 1.200000e+01 : f32
        %ge3A_120 = vector.broadcast %ge3A_119 : f32 to vector<16xf32>
        %ge3A_121 = arith.cmpf oge, %sub3A_109, %ge3A_120 : vector<16xf32>
        %jit3A_122 = arith.constant 2.400000e+01 : f32
        %jit3A_123 = arith.constant 0.000000e+00 : f32
        %broadcast_in_dim3A_124 = vector.broadcast %jit3A_122 : f32 to vector<16xf32>
        %broadcast_in_dim3A_125 = vector.broadcast %jit3A_123 : f32 to vector<16xf32>
        %select_n3A_126 = arith.select %ge3A_121, %broadcast_in_dim3A_124, %broadcast_in_dim3A_125 : vector<16xi1>, vector<16xf32>
        %sub3A_127 = arith.subf %add3A_118, %select_n3A_126 : vector<16xf32>
        %mul3A_128 = arith.mulf %sub3A_87, %sub3A_87 : vector<16xf32>
        %mul3A_129 = arith.mulf %sub3A_107, %sub3A_107 : vector<16xf32>
        %add3A_130 = arith.addf %mul3A_128, %mul3A_129 : vector<16xf32>
        %mul3A_131 = arith.mulf %sub3A_127, %sub3A_127 : vector<16xf32>
        %add3A_132 = arith.addf %add3A_130, %mul3A_131 : vector<16xf32>
        %lt3A_133 = arith.constant 6.250000e+00 : f32
        %lt3A_134 = vector.broadcast %lt3A_133 : f32 to vector<16xf32>
        %lt3A_135 = arith.cmpf olt, %add3A_132, %lt3A_134 : vector<16xf32>
        %ne3A_136 = arith.constant 0.000000e+00 : f32
        %ne3A_137 = vector.broadcast %ne3A_136 : f32 to vector<16xf32>
        %ne3A_138 = arith.cmpf one, %add3A_132, %ne3A_137 : vector<16xf32>
        %and3A_139 = arith.andi %lt3A_135, %ne3A_138 : vector<16xi1>
        %gt3A = vector.broadcast %add3A_16 : i32 to vector<16xi32>
        %gt3A_140 = arith.cmpi sgt, %add3A_60, %gt3A : vector<16xi32>
        %and3A_141 = arith.andi %and3A_139, %gt3A_140 : vector<16xi1>
        %jit3A_142 = arith.constant 1.000000e+00 : f32
        %broadcast_in_dim3A_143 = vector.broadcast %jit3A_142 : f32 to vector<16xf32>
        %select_n3A_144 = arith.select %and3A_141, %add3A_132, %broadcast_in_dim3A_143 : vector<16xi1>, vector<16xf32>
        %bitcast_convert_type3A = tpu.bitcast %select_n3A_144 : vector<16xf32> -> vector<16xi32>
        %shift_right_arithmetic3A = arith.constant 1 : i32
        %shift_right_arithmetic3A_145 = vector.broadcast %shift_right_arithmetic3A : i32 to vector<16xi32>
        %shift_right_arithmetic3A_146 = arith.shrsi %bitcast_convert_type3A, %shift_right_arithmetic3A_145 : vector<16xi32>
        %sub3A_147 = arith.constant 1597463007 : i32
        %sub3A_148 = vector.broadcast %sub3A_147 : i32 to vector<16xi32>
        %sub3A_149 = arith.subi %sub3A_148, %shift_right_arithmetic3A_146 : vector<16xi32>
        %bitcast_convert_type3A_150 = tpu.bitcast %sub3A_149 : vector<16xi32> -> vector<16xf32>
        %mul3A_151 = arith.constant 5.000000e-01 : f32
        %mul3A_152 = vector.broadcast %mul3A_151 : f32 to vector<16xf32>
        %mul3A_153 = arith.mulf %mul3A_152, %select_n3A_144 : vector<16xf32>
        %mul3A_154 = arith.mulf %mul3A_153, %bitcast_convert_type3A_150 : vector<16xf32>
        %mul3A_155 = arith.mulf %mul3A_154, %bitcast_convert_type3A_150 : vector<16xf32>
        %sub3A_156 = arith.constant 1.500000e+00 : f32
        %sub3A_157 = vector.broadcast %sub3A_156 : f32 to vector<16xf32>
        %sub3A_158 = arith.subf %sub3A_157, %mul3A_155 : vector<16xf32>
        %mul3A_159 = arith.mulf %bitcast_convert_type3A_150, %sub3A_158 : vector<16xf32>
        %mul3A_160 = arith.mulf %mul3A_153, %mul3A_159 : vector<16xf32>
        %mul3A_161 = arith.mulf %mul3A_160, %mul3A_159 : vector<16xf32>
        %sub3A_162 = arith.constant 1.500000e+00 : f32
        %sub3A_163 = vector.broadcast %sub3A_162 : f32 to vector<16xf32>
        %sub3A_164 = arith.subf %sub3A_163, %mul3A_161 : vector<16xf32>
        %mul3A_165 = arith.mulf %mul3A_159, %sub3A_164 : vector<16xf32>
        %mul3A_166 = arith.mulf %mul3A_153, %mul3A_165 : vector<16xf32>
        %mul3A_167 = arith.mulf %mul3A_166, %mul3A_165 : vector<16xf32>
        %sub3A_168 = arith.constant 1.500000e+00 : f32
        %sub3A_169 = vector.broadcast %sub3A_168 : f32 to vector<16xf32>
        %sub3A_170 = arith.subf %sub3A_169, %mul3A_167 : vector<16xf32>
        %mul3A_171 = arith.mulf %mul3A_165, %sub3A_170 : vector<16xf32>
        %get3A_172 = arith.index_cast %mul3A_58 : i32 to index
        %get3A_173 = tpu.vector_load %arg10[%get3A_172] {strides = array<i32>} : memref<2048xf32, #tpu.memory_space<vmem>>, vector<16xf32>,
        %get3A_174 = vector.shape_cast %get3A_173 : vector<16xf32> to vector<16xf32>
        %mul3A_175 = arith.constant -14.4003344 : f32
        %mul3A_176 = vector.broadcast %mul3A_175 : f32 to vector<16xf32>
        %mul3A_177 = arith.mulf %mul3A_176, %get3A_174 : vector<16xf32>
        %mul3A_178 = arith.mulf %mul3A_177, %get3A_174 : vector<16xf32>
        %mul3A_179 = arith.mulf %mul3A_178, %mul3A_171 : vector<16xf32>
        %jit3A_180 = arith.constant 0.000000e+00 : f32
        %broadcast_in_dim3A_181 = vector.broadcast %jit3A_180 : f32 to vector<16xf32>
        %select_n3A_182 = arith.select %and3A_141, %mul3A_179, %broadcast_in_dim3A_181 : vector<16xi1>, vector<16xf32>
        %add3A_183 = arith.addf %while3A_56, %select_n3A_182 : vector<16xf32>
        scf.yield %add3A_183 : vector<16xf32>
      }
      scf.yield %while3A_54 : vector<16xf32>
    }
    %scan3A_6 = arith.constant 24 : i32
    %swap3A = arith.constant 0 : index
    %swap3A_7 = tpu.vector_load %arg11[%swap3A] {strides = array<i32>} : memref<16xf32, #tpu.memory_space<vmem>>, vector<16xf32>,
    %swap3A_8 = vector.shape_cast %swap3A_7 : vector<16xf32> to vector<16xf32>
    %swap3A_9 = vector.shape_cast %scan3A_5 : vector<16xf32> to vector<16xf32>
    tpu.vector_store %arg11[%swap3A], %swap3A_9 {strides = array<i32>} : memref<16xf32, #tpu.memory_space<vmem>>, vector<16xf32>,
    "tpu.region"() ({
      %run_scoped3A = tpu.sem_alloc : memref<!tpu.dma_semaphore, #tpu.memory_space<semaphore_mem>>
      %dma_start3A = arith.constant 0 : i32
      %dma_start3A_10 = tpu.memref_slice %arg6[%add3A, %dma_start3A] : memref<32x16xf32, #tpu.memory_space<hbm>> -> memref<1x16xf32, #tpu.memory_space<hbm>>
      %dma_start3A_11 = tpu.memref_squeeze %dma_start3A_10 : memref<1x16xf32, #tpu.memory_space<hbm>> -> memref<16xf32, #tpu.memory_space<hbm>>
      %dma_start3A_12 = arith.constant 0 : i32
      %dma_start3A_13 = tpu.memref_slice %arg6[%add3A, %dma_start3A_12] : memref<32x16xf32, #tpu.memory_space<hbm>> -> memref<1x16xf32, #tpu.memory_space<hbm>>
      %dma_start3A_14 = tpu.memref_squeeze %dma_start3A_13 : memref<1x16xf32, #tpu.memory_space<hbm>> -> memref<16xf32, #tpu.memory_space<hbm>>
      tpu.enqueue_dma source(%arg11 : memref<16xf32, #tpu.memory_space<vmem>>) target(%dma_start3A_14 : memref<16xf32, #tpu.memory_space<hbm>>) target_semaphore(%run_scoped3A : memref<!tpu.dma_semaphore, #tpu.memory_space<semaphore_mem>>)
      %dma_wait3A = arith.constant 0 : i32
      %dma_wait3A_15 = tpu.memref_slice %arg6[%add3A, %dma_wait3A] : memref<32x16xf32, #tpu.memory_space<hbm>> -> memref<1x16xf32, #tpu.memory_space<hbm>>
      %dma_wait3A_16 = tpu.memref_squeeze %dma_wait3A_15 : memref<1x16xf32, #tpu.memory_space<hbm>> -> memref<16xf32, #tpu.memory_space<hbm>>
      %dma_wait3A_17 = arith.constant 0 : i32
      %dma_wait3A_18 = tpu.memref_slice %arg6[%add3A, %dma_wait3A_17] : memref<32x16xf32, #tpu.memory_space<hbm>> -> memref<1x16xf32, #tpu.memory_space<hbm>>
      %dma_wait3A_19 = tpu.memref_squeeze %dma_wait3A_18 : memref<1x16xf32, #tpu.memory_space<hbm>> -> memref<16xf32, #tpu.memory_space<hbm>>
      tpu.wait_dma2 semaphore(%run_scoped3A : memref<!tpu.dma_semaphore, #tpu.memory_space<semaphore_mem>>) src(%arg11 : memref<16xf32, #tpu.memory_space<vmem>>) dst(%dma_wait3A_19 : memref<16xf32, #tpu.memory_space<hbm>>)
      tpu.yield
    }) : () -> ()
    return
  }
}

module attributes {stable_mosaic.version = 14 : i64} {
  func.func @_coulomb_body(%arg0: i32, %arg1: memref<256x3xf32, #tpu.memory_space<vmem>>, %arg2: memref<3x2048xf32, #tpu.memory_space<vmem>>, %arg3: memref<1x2048xf32, #tpu.memory_space<vmem>>, %arg4: memref<1x1xf32, #tpu.memory_space<vmem>>) attributes {dimension_semantics = [#tpu.dimension_semantics<arbitrary>], iteration_bounds = array<i64: 5>, scalar_prefetch = 0 : i64, scratch_operands = 0 : i64, tpu.core_type = #tpu.core_type<tc>, window_params = [{transform_indices = @transform_0, window_bounds = array<i64: 256, 3>}, {pipeline_mode = #tpu.pipeline_mode<synchronous>, transform_indices = @transform_1, window_bounds = array<i64: 3, 2048>}, {pipeline_mode = #tpu.pipeline_mode<synchronous>, transform_indices = @transform_2, window_bounds = array<i64: 1, 2048>}, {pipeline_mode = #tpu.pipeline_mode<synchronous>, transform_indices = @transform_3, window_bounds = array<i64: 1, 1>}]} {
    %iota3A = tpu.iota {dimensions = array<i32: 1>} : vector<256x256xi32>
    %iota3A_0 = tpu.iota {dimensions = array<i32: 0>} : vector<256x256xi32>
    %gt3A = arith.cmpi sgt, %iota3A, %iota3A_0 : vector<256x256xi32>
    %mul3A = arith.constant 256 : i32
    %mul3A_1 = arith.muli %arg0, %mul3A : i32
    %get3A = arith.constant 0 : index
    %get3A_2 = arith.index_cast %mul3A_1 : i32 to index
    %get3A_3 = vector.load %arg2[%get3A, %get3A_2] : memref<3x2048xf32, #tpu.memory_space<vmem>>, vector<3x256xf32>
    %broadcast_in_dim3A = arith.constant 0.000000e+00 : f32
    %broadcast_in_dim3A_4 = vector.broadcast %broadcast_in_dim3A : f32 to vector<256x256xf32>
    %slice3A = vector.extract_strided_slice %get3A_3 {offsets = [0, 0], sizes = [1, 256], strides = [1, 1]} : vector<3x256xf32> to vector<1x256xf32>
    %get3A_5 = arith.constant 0 : index
    %get3A_6 = arith.constant 0 : index
    %get3A_7 = vector.load %arg1[%get3A_5, %get3A_6] : memref<256x3xf32, #tpu.memory_space<vmem>>, vector<256x1xf32>
    %sub3A = vector.broadcast %slice3A : vector<1x256xf32> to vector<256x256xf32>
    %sub3A_8 = vector.broadcast %get3A_7 : vector<256x1xf32> to vector<256x256xf32>
    %sub3A_9 = arith.subf %sub3A, %sub3A_8 : vector<256x256xf32>
    %mul3A_10 = arith.constant 0.0416666679 : f32
    %mul3A_11 = vector.broadcast %mul3A_10 : f32 to vector<256x256xf32>
    %mul3A_12 = arith.mulf %sub3A_9, %mul3A_11 : vector<256x256xf32>
    %round3A = math.roundeven %mul3A_12 : vector<256x256xf32>
    %mul3A_13 = arith.constant 2.400000e+01 : f32
    %mul3A_14 = vector.broadcast %mul3A_13 : f32 to vector<256x256xf32>
    %mul3A_15 = arith.mulf %mul3A_14, %round3A : vector<256x256xf32>
    %sub3A_16 = arith.subf %sub3A_9, %mul3A_15 : vector<256x256xf32>
    %mul3A_17 = arith.mulf %sub3A_16, %sub3A_16 : vector<256x256xf32>
    %add3A = arith.addf %broadcast_in_dim3A_4, %mul3A_17 : vector<256x256xf32>
    %slice3A_18 = vector.extract_strided_slice %get3A_3 {offsets = [1, 0], sizes = [1, 256], strides = [1, 1]} : vector<3x256xf32> to vector<1x256xf32>
    %get3A_19 = arith.constant 0 : index
    %get3A_20 = arith.constant 1 : index
    %get3A_21 = vector.load %arg1[%get3A_19, %get3A_20] : memref<256x3xf32, #tpu.memory_space<vmem>>, vector<256x1xf32>
    %sub3A_22 = vector.broadcast %slice3A_18 : vector<1x256xf32> to vector<256x256xf32>
    %sub3A_23 = vector.broadcast %get3A_21 : vector<256x1xf32> to vector<256x256xf32>
    %sub3A_24 = arith.subf %sub3A_22, %sub3A_23 : vector<256x256xf32>
    %mul3A_25 = arith.constant 0.0416666679 : f32
    %mul3A_26 = vector.broadcast %mul3A_25 : f32 to vector<256x256xf32>
    %mul3A_27 = arith.mulf %sub3A_24, %mul3A_26 : vector<256x256xf32>
    %round3A_28 = math.roundeven %mul3A_27 : vector<256x256xf32>
    %mul3A_29 = arith.constant 2.400000e+01 : f32
    %mul3A_30 = vector.broadcast %mul3A_29 : f32 to vector<256x256xf32>
    %mul3A_31 = arith.mulf %mul3A_30, %round3A_28 : vector<256x256xf32>
    %sub3A_32 = arith.subf %sub3A_24, %mul3A_31 : vector<256x256xf32>
    %mul3A_33 = arith.mulf %sub3A_32, %sub3A_32 : vector<256x256xf32>
    %add3A_34 = arith.addf %add3A, %mul3A_33 : vector<256x256xf32>
    %slice3A_35 = vector.extract_strided_slice %get3A_3 {offsets = [2, 0], sizes = [1, 256], strides = [1, 1]} : vector<3x256xf32> to vector<1x256xf32>
    %get3A_36 = arith.constant 0 : index
    %get3A_37 = arith.constant 2 : index
    %get3A_38 = vector.load %arg1[%get3A_36, %get3A_37] : memref<256x3xf32, #tpu.memory_space<vmem>>, vector<256x1xf32>
    %sub3A_39 = vector.broadcast %slice3A_35 : vector<1x256xf32> to vector<256x256xf32>
    %sub3A_40 = vector.broadcast %get3A_38 : vector<256x1xf32> to vector<256x256xf32>
    %sub3A_41 = arith.subf %sub3A_39, %sub3A_40 : vector<256x256xf32>
    %mul3A_42 = arith.constant 0.0416666679 : f32
    %mul3A_43 = vector.broadcast %mul3A_42 : f32 to vector<256x256xf32>
    %mul3A_44 = arith.mulf %sub3A_41, %mul3A_43 : vector<256x256xf32>
    %round3A_45 = math.roundeven %mul3A_44 : vector<256x256xf32>
    %mul3A_46 = arith.constant 2.400000e+01 : f32
    %mul3A_47 = vector.broadcast %mul3A_46 : f32 to vector<256x256xf32>
    %mul3A_48 = arith.mulf %mul3A_47, %round3A_45 : vector<256x256xf32>
    %sub3A_49 = arith.subf %sub3A_41, %mul3A_48 : vector<256x256xf32>
    %mul3A_50 = arith.mulf %sub3A_49, %sub3A_49 : vector<256x256xf32>
    %add3A_51 = arith.addf %add3A_34, %mul3A_50 : vector<256x256xf32>
    %lt3A = arith.constant 6.250000e+00 : f32
    %lt3A_52 = vector.broadcast %lt3A : f32 to vector<256x256xf32>
    %lt3A_53 = arith.cmpf olt, %add3A_51, %lt3A_52 : vector<256x256xf32>
    %ne3A = arith.constant 0.000000e+00 : f32
    %ne3A_54 = vector.broadcast %ne3A : f32 to vector<256x256xf32>
    %ne3A_55 = arith.cmpf one, %add3A_51, %ne3A_54 : vector<256x256xf32>
    %and3A = arith.andi %lt3A_53, %ne3A_55 : vector<256x256xi1>
    %and3A_56 = arith.andi %and3A, %gt3A : vector<256x256xi1>
    %get3A_57 = arith.constant 0 : index
    %get3A_58 = arith.index_cast %mul3A_1 : i32 to index
    %get3A_59 = vector.load %arg3[%get3A_57, %get3A_58] : memref<1x2048xf32, #tpu.memory_space<vmem>>, vector<1x256xf32>
    %jit3A = arith.constant 0x7F800000 : f32
    %broadcast_in_dim3A_60 = vector.broadcast %jit3A : f32 to vector<256x256xf32>
    %select_n3A = arith.select %and3A_56, %add3A_51, %broadcast_in_dim3A_60 : vector<256x256xi1>, vector<256x256xf32>
    %rsqrt3A = math.rsqrt %select_n3A : vector<256x256xf32>
    %mul3A_61 = arith.constant -14.4003344 : f32
    %mul3A_62 = vector.broadcast %mul3A_61 : f32 to vector<1x256xf32>
    %mul3A_63 = arith.mulf %mul3A_62, %get3A_59 : vector<1x256xf32>
    %mul3A_64 = arith.mulf %mul3A_63, %get3A_59 : vector<1x256xf32>
    %mul3A_65 = vector.broadcast %mul3A_64 : vector<1x256xf32> to vector<256x256xf32>
    %mul3A_66 = arith.mulf %mul3A_65, %rsqrt3A : vector<256x256xf32>
    %reduce_sum3A = vector.shape_cast %mul3A_66 : vector<256x256xf32> to vector<1x256x256xf32>
    %reduce_sum3A_67 = arith.constant dense<0.000000e+00> : vector<1xf32>
    %reduce_sum3A_68 = vector.multi_reduction <add>, %reduce_sum3A, %reduce_sum3A_67 [1, 2] : vector<1x256x256xf32> to vector<1xf32>
    %reduce_sum3A_69 = vector.shape_cast %reduce_sum3A_68 : vector<1xf32> to vector<1x1x1xf32>
    %reduce_sum3A_70 = vector.extract %reduce_sum3A_69[0, 0, 0] : f32 from vector<1x1x1xf32>
    %add3A_71 = arith.constant 1 : i32
    %add3A_72 = arith.addi %arg0, %add3A_71 : i32
    %while3A = arith.constant 8 : i32
    %while3A_73 = arith.subi %while3A, %add3A_72 : i32
    %while3A_74 = arith.addi %add3A_72, %while3A_73 : i32
    %while3A_75 = arith.constant 1 : i32
    %while3A_76 = arith.divsi %while3A_73, %while3A_75 : i32
    %while3A_77 = arith.muli %while3A_76, %while3A_75 : i32
    %while3A_78 = arith.addi %add3A_72, %while3A_77 : i32
    %while3A_79 = arith.constant 1 : i32
    %while3A_80 = scf.for %while3A_90 = %add3A_72 to %while3A_78 step %while3A_79 iter_args(%while3A_91 = %reduce_sum3A_70) -> (f32)  : i32 {
      %mul3A_92 = arith.constant 256 : i32
      %mul3A_93 = arith.muli %while3A_90, %mul3A_92 : i32
      %get3A_94 = arith.constant 0 : index
      %get3A_95 = arith.index_cast %mul3A_93 : i32 to index
      %get3A_96 = vector.load %arg2[%get3A_94, %get3A_95] : memref<3x2048xf32, #tpu.memory_space<vmem>>, vector<3x256xf32>
      %broadcast_in_dim3A_97 = arith.constant 0.000000e+00 : f32
      %broadcast_in_dim3A_98 = vector.broadcast %broadcast_in_dim3A_97 : f32 to vector<256x256xf32>
      %slice3A_99 = vector.extract_strided_slice %get3A_96 {offsets = [0, 0], sizes = [1, 256], strides = [1, 1]} : vector<3x256xf32> to vector<1x256xf32>
      %get3A_100 = arith.constant 0 : index
      %get3A_101 = arith.constant 0 : index
      %get3A_102 = vector.load %arg1[%get3A_100, %get3A_101] : memref<256x3xf32, #tpu.memory_space<vmem>>, vector<256x1xf32>
      %sub3A_103 = vector.broadcast %slice3A_99 : vector<1x256xf32> to vector<256x256xf32>
      %sub3A_104 = vector.broadcast %get3A_102 : vector<256x1xf32> to vector<256x256xf32>
      %sub3A_105 = arith.subf %sub3A_103, %sub3A_104 : vector<256x256xf32>
      %mul3A_106 = arith.constant 0.0416666679 : f32
      %mul3A_107 = vector.broadcast %mul3A_106 : f32 to vector<256x256xf32>
      %mul3A_108 = arith.mulf %sub3A_105, %mul3A_107 : vector<256x256xf32>
      %round3A_109 = math.roundeven %mul3A_108 : vector<256x256xf32>
      %mul3A_110 = arith.constant 2.400000e+01 : f32
      %mul3A_111 = vector.broadcast %mul3A_110 : f32 to vector<256x256xf32>
      %mul3A_112 = arith.mulf %mul3A_111, %round3A_109 : vector<256x256xf32>
      %sub3A_113 = arith.subf %sub3A_105, %mul3A_112 : vector<256x256xf32>
      %mul3A_114 = arith.mulf %sub3A_113, %sub3A_113 : vector<256x256xf32>
      %add3A_115 = arith.addf %broadcast_in_dim3A_98, %mul3A_114 : vector<256x256xf32>
      %slice3A_116 = vector.extract_strided_slice %get3A_96 {offsets = [1, 0], sizes = [1, 256], strides = [1, 1]} : vector<3x256xf32> to vector<1x256xf32>
      %get3A_117 = arith.constant 0 : index
      %get3A_118 = arith.constant 1 : index
      %get3A_119 = vector.load %arg1[%get3A_117, %get3A_118] : memref<256x3xf32, #tpu.memory_space<vmem>>, vector<256x1xf32>
      %sub3A_120 = vector.broadcast %slice3A_116 : vector<1x256xf32> to vector<256x256xf32>
      %sub3A_121 = vector.broadcast %get3A_119 : vector<256x1xf32> to vector<256x256xf32>
      %sub3A_122 = arith.subf %sub3A_120, %sub3A_121 : vector<256x256xf32>
      %mul3A_123 = arith.constant 0.0416666679 : f32
      %mul3A_124 = vector.broadcast %mul3A_123 : f32 to vector<256x256xf32>
      %mul3A_125 = arith.mulf %sub3A_122, %mul3A_124 : vector<256x256xf32>
      %round3A_126 = math.roundeven %mul3A_125 : vector<256x256xf32>
      %mul3A_127 = arith.constant 2.400000e+01 : f32
      %mul3A_128 = vector.broadcast %mul3A_127 : f32 to vector<256x256xf32>
      %mul3A_129 = arith.mulf %mul3A_128, %round3A_126 : vector<256x256xf32>
      %sub3A_130 = arith.subf %sub3A_122, %mul3A_129 : vector<256x256xf32>
      %mul3A_131 = arith.mulf %sub3A_130, %sub3A_130 : vector<256x256xf32>
      %add3A_132 = arith.addf %add3A_115, %mul3A_131 : vector<256x256xf32>
      %slice3A_133 = vector.extract_strided_slice %get3A_96 {offsets = [2, 0], sizes = [1, 256], strides = [1, 1]} : vector<3x256xf32> to vector<1x256xf32>
      %get3A_134 = arith.constant 0 : index
      %get3A_135 = arith.constant 2 : index
      %get3A_136 = vector.load %arg1[%get3A_134, %get3A_135] : memref<256x3xf32, #tpu.memory_space<vmem>>, vector<256x1xf32>
      %sub3A_137 = vector.broadcast %slice3A_133 : vector<1x256xf32> to vector<256x256xf32>
      %sub3A_138 = vector.broadcast %get3A_136 : vector<256x1xf32> to vector<256x256xf32>
      %sub3A_139 = arith.subf %sub3A_137, %sub3A_138 : vector<256x256xf32>
      %mul3A_140 = arith.constant 0.0416666679 : f32
      %mul3A_141 = vector.broadcast %mul3A_140 : f32 to vector<256x256xf32>
      %mul3A_142 = arith.mulf %sub3A_139, %mul3A_141 : vector<256x256xf32>
      %round3A_143 = math.roundeven %mul3A_142 : vector<256x256xf32>
      %mul3A_144 = arith.constant 2.400000e+01 : f32
      %mul3A_145 = vector.broadcast %mul3A_144 : f32 to vector<256x256xf32>
      %mul3A_146 = arith.mulf %mul3A_145, %round3A_143 : vector<256x256xf32>
      %sub3A_147 = arith.subf %sub3A_139, %mul3A_146 : vector<256x256xf32>
      %mul3A_148 = arith.mulf %sub3A_147, %sub3A_147 : vector<256x256xf32>
      %add3A_149 = arith.addf %add3A_132, %mul3A_148 : vector<256x256xf32>
      %lt3A_150 = arith.constant 6.250000e+00 : f32
      %lt3A_151 = vector.broadcast %lt3A_150 : f32 to vector<256x256xf32>
      %lt3A_152 = arith.cmpf olt, %add3A_149, %lt3A_151 : vector<256x256xf32>
      %ne3A_153 = arith.constant 0.000000e+00 : f32
      %ne3A_154 = vector.broadcast %ne3A_153 : f32 to vector<256x256xf32>
      %ne3A_155 = arith.cmpf one, %add3A_149, %ne3A_154 : vector<256x256xf32>
      %and3A_156 = arith.andi %lt3A_152, %ne3A_155 : vector<256x256xi1>
      %get3A_157 = arith.constant 0 : index
      %get3A_158 = arith.index_cast %mul3A_93 : i32 to index
      %get3A_159 = vector.load %arg3[%get3A_157, %get3A_158] : memref<1x2048xf32, #tpu.memory_space<vmem>>, vector<1x256xf32>
      %jit3A_160 = arith.constant 0x7F800000 : f32
      %broadcast_in_dim3A_161 = vector.broadcast %jit3A_160 : f32 to vector<256x256xf32>
      %select_n3A_162 = arith.select %and3A_156, %add3A_149, %broadcast_in_dim3A_161 : vector<256x256xi1>, vector<256x256xf32>
      %rsqrt3A_163 = math.rsqrt %select_n3A_162 : vector<256x256xf32>
      %mul3A_164 = arith.constant -14.4003344 : f32
      %mul3A_165 = vector.broadcast %mul3A_164 : f32 to vector<1x256xf32>
      %mul3A_166 = arith.mulf %mul3A_165, %get3A_159 : vector<1x256xf32>
      %mul3A_167 = arith.mulf %mul3A_166, %get3A_159 : vector<1x256xf32>
      %mul3A_168 = vector.broadcast %mul3A_167 : vector<1x256xf32> to vector<256x256xf32>
      %mul3A_169 = arith.mulf %mul3A_168, %rsqrt3A_163 : vector<256x256xf32>
      %reduce_sum3A_170 = vector.shape_cast %mul3A_169 : vector<256x256xf32> to vector<1x256x256xf32>
      %reduce_sum3A_171 = arith.constant dense<0.000000e+00> : vector<1xf32>
      %reduce_sum3A_172 = vector.multi_reduction <add>, %reduce_sum3A_170, %reduce_sum3A_171 [1, 2] : vector<1x256x256xf32> to vector<1xf32>
      %reduce_sum3A_173 = vector.shape_cast %reduce_sum3A_172 : vector<1xf32> to vector<1x1x1xf32>
      %reduce_sum3A_174 = vector.extract %reduce_sum3A_173[0, 0, 0] : f32 from vector<1x1x1xf32>
      %add3A_175 = arith.addf %while3A_91, %reduce_sum3A_174 : f32
      scf.yield %add3A_175 : f32
    }
    %while3A_81 = arith.constant 1 : i32
    %while3A_82 = scf.for %while3A_90 = %while3A_78 to %while3A_74 step %while3A_81 iter_args(%while3A_91 = %while3A_80) -> (f32)  : i32 {
      %mul3A_92 = arith.constant 256 : i32
      %mul3A_93 = arith.muli %while3A_90, %mul3A_92 : i32
      %get3A_94 = arith.constant 0 : index
      %get3A_95 = arith.index_cast %mul3A_93 : i32 to index
      %get3A_96 = vector.load %arg2[%get3A_94, %get3A_95] : memref<3x2048xf32, #tpu.memory_space<vmem>>, vector<3x256xf32>
      %broadcast_in_dim3A_97 = arith.constant 0.000000e+00 : f32
      %broadcast_in_dim3A_98 = vector.broadcast %broadcast_in_dim3A_97 : f32 to vector<256x256xf32>
      %slice3A_99 = vector.extract_strided_slice %get3A_96 {offsets = [0, 0], sizes = [1, 256], strides = [1, 1]} : vector<3x256xf32> to vector<1x256xf32>
      %get3A_100 = arith.constant 0 : index
      %get3A_101 = arith.constant 0 : index
      %get3A_102 = vector.load %arg1[%get3A_100, %get3A_101] : memref<256x3xf32, #tpu.memory_space<vmem>>, vector<256x1xf32>
      %sub3A_103 = vector.broadcast %slice3A_99 : vector<1x256xf32> to vector<256x256xf32>
      %sub3A_104 = vector.broadcast %get3A_102 : vector<256x1xf32> to vector<256x256xf32>
      %sub3A_105 = arith.subf %sub3A_103, %sub3A_104 : vector<256x256xf32>
      %mul3A_106 = arith.constant 0.0416666679 : f32
      %mul3A_107 = vector.broadcast %mul3A_106 : f32 to vector<256x256xf32>
      %mul3A_108 = arith.mulf %sub3A_105, %mul3A_107 : vector<256x256xf32>
      %round3A_109 = math.roundeven %mul3A_108 : vector<256x256xf32>
      %mul3A_110 = arith.constant 2.400000e+01 : f32
      %mul3A_111 = vector.broadcast %mul3A_110 : f32 to vector<256x256xf32>
      %mul3A_112 = arith.mulf %mul3A_111, %round3A_109 : vector<256x256xf32>
      %sub3A_113 = arith.subf %sub3A_105, %mul3A_112 : vector<256x256xf32>
      %mul3A_114 = arith.mulf %sub3A_113, %sub3A_113 : vector<256x256xf32>
      %add3A_115 = arith.addf %broadcast_in_dim3A_98, %mul3A_114 : vector<256x256xf32>
      %slice3A_116 = vector.extract_strided_slice %get3A_96 {offsets = [1, 0], sizes = [1, 256], strides = [1, 1]} : vector<3x256xf32> to vector<1x256xf32>
      %get3A_117 = arith.constant 0 : index
      %get3A_118 = arith.constant 1 : index
      %get3A_119 = vector.load %arg1[%get3A_117, %get3A_118] : memref<256x3xf32, #tpu.memory_space<vmem>>, vector<256x1xf32>
      %sub3A_120 = vector.broadcast %slice3A_116 : vector<1x256xf32> to vector<256x256xf32>
      %sub3A_121 = vector.broadcast %get3A_119 : vector<256x1xf32> to vector<256x256xf32>
      %sub3A_122 = arith.subf %sub3A_120, %sub3A_121 : vector<256x256xf32>
      %mul3A_123 = arith.constant 0.0416666679 : f32
      %mul3A_124 = vector.broadcast %mul3A_123 : f32 to vector<256x256xf32>
      %mul3A_125 = arith.mulf %sub3A_122, %mul3A_124 : vector<256x256xf32>
      %round3A_126 = math.roundeven %mul3A_125 : vector<256x256xf32>
      %mul3A_127 = arith.constant 2.400000e+01 : f32
      %mul3A_128 = vector.broadcast %mul3A_127 : f32 to vector<256x256xf32>
      %mul3A_129 = arith.mulf %mul3A_128, %round3A_126 : vector<256x256xf32>
      %sub3A_130 = arith.subf %sub3A_122, %mul3A_129 : vector<256x256xf32>
      %mul3A_131 = arith.mulf %sub3A_130, %sub3A_130 : vector<256x256xf32>
      %add3A_132 = arith.addf %add3A_115, %mul3A_131 : vector<256x256xf32>
      %slice3A_133 = vector.extract_strided_slice %get3A_96 {offsets = [2, 0], sizes = [1, 256], strides = [1, 1]} : vector<3x256xf32> to vector<1x256xf32>
      %get3A_134 = arith.constant 0 : index
      %get3A_135 = arith.constant 2 : index
      %get3A_136 = vector.load %arg1[%get3A_134, %get3A_135] : memref<256x3xf32, #tpu.memory_space<vmem>>, vector<256x1xf32>
      %sub3A_137 = vector.broadcast %slice3A_133 : vector<1x256xf32> to vector<256x256xf32>
      %sub3A_138 = vector.broadcast %get3A_136 : vector<256x1xf32> to vector<256x256xf32>
      %sub3A_139 = arith.subf %sub3A_137, %sub3A_138 : vector<256x256xf32>
      %mul3A_140 = arith.constant 0.0416666679 : f32
      %mul3A_141 = vector.broadcast %mul3A_140 : f32 to vector<256x256xf32>
      %mul3A_142 = arith.mulf %sub3A_139, %mul3A_141 : vector<256x256xf32>
      %round3A_143 = math.roundeven %mul3A_142 : vector<256x256xf32>
      %mul3A_144 = arith.constant 2.400000e+01 : f32
      %mul3A_145 = vector.broadcast %mul3A_144 : f32 to vector<256x256xf32>
      %mul3A_146 = arith.mulf %mul3A_145, %round3A_143 : vector<256x256xf32>
      %sub3A_147 = arith.subf %sub3A_139, %mul3A_146 : vector<256x256xf32>
      %mul3A_148 = arith.mulf %sub3A_147, %sub3A_147 : vector<256x256xf32>
      %add3A_149 = arith.addf %add3A_132, %mul3A_148 : vector<256x256xf32>
      %lt3A_150 = arith.constant 6.250000e+00 : f32
      %lt3A_151 = vector.broadcast %lt3A_150 : f32 to vector<256x256xf32>
      %lt3A_152 = arith.cmpf olt, %add3A_149, %lt3A_151 : vector<256x256xf32>
      %ne3A_153 = arith.constant 0.000000e+00 : f32
      %ne3A_154 = vector.broadcast %ne3A_153 : f32 to vector<256x256xf32>
      %ne3A_155 = arith.cmpf one, %add3A_149, %ne3A_154 : vector<256x256xf32>
      %and3A_156 = arith.andi %lt3A_152, %ne3A_155 : vector<256x256xi1>
      %get3A_157 = arith.constant 0 : index
      %get3A_158 = arith.index_cast %mul3A_93 : i32 to index
      %get3A_159 = vector.load %arg3[%get3A_157, %get3A_158] : memref<1x2048xf32, #tpu.memory_space<vmem>>, vector<1x256xf32>
      %jit3A_160 = arith.constant 0x7F800000 : f32
      %broadcast_in_dim3A_161 = vector.broadcast %jit3A_160 : f32 to vector<256x256xf32>
      %select_n3A_162 = arith.select %and3A_156, %add3A_149, %broadcast_in_dim3A_161 : vector<256x256xi1>, vector<256x256xf32>
      %rsqrt3A_163 = math.rsqrt %select_n3A_162 : vector<256x256xf32>
      %mul3A_164 = arith.constant -14.4003344 : f32
      %mul3A_165 = vector.broadcast %mul3A_164 : f32 to vector<1x256xf32>
      %mul3A_166 = arith.mulf %mul3A_165, %get3A_159 : vector<1x256xf32>
      %mul3A_167 = arith.mulf %mul3A_166, %get3A_159 : vector<1x256xf32>
      %mul3A_168 = vector.broadcast %mul3A_167 : vector<1x256xf32> to vector<256x256xf32>
      %mul3A_169 = arith.mulf %mul3A_168, %rsqrt3A_163 : vector<256x256xf32>
      %reduce_sum3A_170 = vector.shape_cast %mul3A_169 : vector<256x256xf32> to vector<1x256x256xf32>
      %reduce_sum3A_171 = arith.constant dense<0.000000e+00> : vector<1xf32>
      %reduce_sum3A_172 = vector.multi_reduction <add>, %reduce_sum3A_170, %reduce_sum3A_171 [1, 2] : vector<1x256x256xf32> to vector<1xf32>
      %reduce_sum3A_173 = vector.shape_cast %reduce_sum3A_172 : vector<1xf32> to vector<1x1x1xf32>
      %reduce_sum3A_174 = vector.extract %reduce_sum3A_173[0, 0, 0] : f32 from vector<1x1x1xf32>
      %add3A_175 = arith.addf %while3A_91, %reduce_sum3A_174 : f32
      scf.yield %add3A_175 : f32
    }
    %reshape3A = vector.broadcast %while3A_82 : f32 to vector<1x1xf32>
    %eq3A = arith.constant 0 : i32
    %eq3A_83 = arith.cmpi eq, %arg0, %eq3A : i32
    %convert_element_type3A = arith.extui %eq3A_83 : i1 to i32
    %cond3A = arith.constant 0 : i32
    %cond3A_84 = arith.cmpi ne, %convert_element_type3A, %cond3A : i32
    scf.if %cond3A_84 {
      %swap3A = arith.constant 0 : index
      %swap3A_90 = arith.constant 0 : index
      %swap3A_91 = vector.load %arg4[%swap3A, %swap3A_90] : memref<1x1xf32, #tpu.memory_space<vmem>>, vector<1x1xf32>
      tpu.vector_store %arg4[%swap3A, %swap3A_90], %reshape3A {strides = array<i32>} : memref<1x1xf32, #tpu.memory_space<vmem>>, vector<1x1xf32>,
    } else {
    }
    %ne3A_85 = arith.constant 0 : i32
    %ne3A_86 = arith.cmpi ne, %arg0, %ne3A_85 : i32
    %convert_element_type3A_87 = arith.extui %ne3A_86 : i1 to i32
    %cond3A_88 = arith.constant 0 : i32
    %cond3A_89 = arith.cmpi ne, %convert_element_type3A_87, %cond3A_88 : i32
    scf.if %cond3A_89 {
      %get3A_90 = arith.constant 0 : index
      %get3A_91 = arith.constant 0 : index
      %get3A_92 = vector.load %arg4[%get3A_90, %get3A_91] : memref<1x1xf32, #tpu.memory_space<vmem>>, vector<1x1xf32>
      %add3A_93 = arith.addf %get3A_92, %reshape3A : vector<1x1xf32>
      %swap3A = arith.constant 0 : index
      %swap3A_94 = arith.constant 0 : index
      %swap3A_95 = vector.load %arg4[%swap3A, %swap3A_94] : memref<1x1xf32, #tpu.memory_space<vmem>>, vector<1x1xf32>
      tpu.vector_store %arg4[%swap3A, %swap3A_94], %add3A_93 {strides = array<i32>} : memref<1x1xf32, #tpu.memory_space<vmem>>, vector<1x1xf32>,
    } else {
    }
    return
  }
  func.func @transform_0(%arg0: i32) -> (i32, i32) {
    %c0_i32 = arith.constant 0 : i32
    %c0_i32_0 = arith.constant 0 : i32
    return %arg0, %c0_i32 : i32, i32
  }
  func.func @transform_1(%arg0: i32) -> (i32, i32) {
    %c0_i32 = arith.constant 0 : i32
    %c0_i32_0 = arith.constant 0 : i32
    %c0_i32_1 = arith.constant 0 : i32
    return %c0_i32, %c0_i32_0 : i32, i32
  }
  func.func @transform_2(%arg0: i32) -> (i32, i32) {
    %c0_i32 = arith.constant 0 : i32
    %c0_i32_0 = arith.constant 0 : i32
    %c0_i32_1 = arith.constant 0 : i32
    return %c0_i32, %c0_i32_0 : i32, i32
  }
  func.func @transform_3(%arg0: i32) -> (i32, i32) {
    %c0_i32 = arith.constant 0 : i32
    %c0_i32_0 = arith.constant 0 : i32
    %c0_i32_1 = arith.constant 0 : i32
    return %c0_i32, %c0_i32_0 : i32, i32
  }
}

</mosaic_0001>

<sc_bundles>
// kernel: kernel.4.cloned.1.call-start
scs
__scs_entry_jumppad:
0x0: {  	(pc) =	sbr.rel $0x88, $3  }
0x1: {  	(tag) =	ssettag $0x0;
	lr =	simm.s32 $0x1  }
0x2: {  	[smem:$0x3F9F] =	sst lr;
	_ =	strace $0xD0000000  }
0x3: {  	_ = 	snop  }
0x4: {  	_ = 	snop  }
0x5: {  	_ = 	snop  }
0x6: {  	_ = 	snop  }
0x7: {  	_ = 	snop  }
__scs_overlays_trampoline_lowered:
0x8: {  	[smem:$0x3FAE] =	sst s0  }
0x9: {  	[smem:$0x3FAF] =	sst s1  }
0xa: {  	[smem:$0x3FB0] =	sst s2  }
0xb: {  	[smem:$0x3FB1] =	sst s3  }
0xc: {  	[smem:$0x3FB2] =	sst s4  }
0xd: {  	[smem:$0x3FB3] =	sst s5  }
0xe: {  	[smem:$0x3FB4] =	sst s6  }
0xf: {  	[smem:$0x3FB5] =	sst s7  }
0x10: {  	[smem:$0x3FB6] =	sst s8  }
0x11: {  	[smem:$0x3FB7] =	sst s9;
	s0 =	simm.s32 @!p0 $0x0  }
0x12: {  	s1 =	sld [smem:$0x3F9D];
	s0 =	simm.s32 @p0 $0x1  }
0x13: {  	[smem:$0x3FB8] =	sst s0;
	s0 =	simm.s32 @!p1 $0x0  }
0x14: {  	s2 =	sld [smem:$0x3F9C];
	s0 =	simm.s32 @p1 $0x1  }
0x15: {  	[smem:$0x3FB9] =	sst s0;
	s0 =	simm.s32 @!p2 $0x0  }
0x16: {  	s3 =	sld [smem:$0x3FDB];
	s0 =	simm.s32 @p2 $0x1  }
0x17: {  	s4 =	simm.s32 $0x1BF5;
	[smem:$0x3FBB] =	sst s0  }
0x18: {  	s0 =	sld [smem:$0x3F9E];
	_ =	swait.ge [sflag:s4], $0x0  }
0x19: {  	s7 =	sld [smem:$0x3F9F]  }
0x1a: {  	s8 =	sadd.s32 $0xFFFFE003, lr  }
0x1b: {  	s9 =	sadd.s32 $0xFFFFFEF7, lr;
	s5 =	simm.s32 $0xFFFFFFFF;
	p2 =	slt.u32 s8, $0xFFFFF086  }
0x1c: {  	p1 =	slt.u32 s9, $0xF7A;
	s5 =	simm.s32 @!p2 $0x0  }
0x1d: {  	s5 =	simm.s32 @p1 $0x1;
	p0 =	seq.s32 s7, s2  }
0x1e: {  	s7 =	smul.u32 @!p0 $0xF7A, s2;
	p2 =	seq.s32 @!p0 s5, $0x0  }
0x1f: {  	s9 =	smul.u32 $0xF7A, s1;
	s8 =	simm.s32 @!p0 $0x1BF5;
	p2 =	por !p2, p0  }
0x20: {  	[sflag:s8] =	ssyncset.s32 @!p0 $0xFFFFF086;
	s6 =	sadd.s32 @!p0 s3, s7;
	s7 =	simm.s32 @!p0 $0x108  }
0x21: {  	s3 =	sadd.s32 s3, s9;
	s6 =	sadd.s32 @!p0 $0x88, s6;
	s7 =	simm.s32 @p2 $0x1082  }
0x22: {  	[simem:s7], [sflag:s8] =	dma.local @!p0 [hbm:s6], $0xF7A  }
0x23: {  	s9 =	sor.u32 $0xD0000000, s2;
	s6 =	simm.s32 $0x108;
	_ =	swait.ge @!p0 [sflag:s8], $0x0  }
0x24: {  	s3 =	sadd.s32 $0x88, s3;
	s6 =	simm.s32 @!p1 $0x1082;
	[sflag:s4] =	ssyncset.s32 $0xFFFFF086  }
0x25: {  	[simem:s6], [sflag:s4] =	dma.local [hbm:s3], $0xF7A  }
0x26: {  	[smem:$0x3F9F] =	sst s1;
	(tag) =	ssettag s2;
	_ =	strace s9  }
0x27: {  	s1 =	sld [smem:$0x3FAF]  }
0x28: {  	s2 =	sld [smem:$0x3FB0]  }
0x29: {  	s4 =	sld [smem:$0x3FB2]  }
0x2a: {  	p0 =	seq.s32 s5, $0x0;
	s5 =	sld [smem:$0x3FB3]  }
0x2b: {  	s6 =	sld [smem:$0x3FB4]  }
0x2c: {  	s7 =	sld [smem:$0x3FB5]  }
0x2d: {  	s3 =	simm.s32 $0x108;
	s8 =	sld [smem:$0x3FB6]  }
0x2e: {  	s3 =	simm.s32 @!p0 $0x1082;
	s9 =	sld [smem:$0x3FB7]  }
0x2f: {  	lr =	sadd.s32 s0, s3;
	s0 =	sld [smem:$0x3FAE]  }
0x30: {  	s3 =	sld [smem:$0x3FB1]  }
0x31: {  	[smem:$0x3FBA] =	sst s10  }
0x32: {  	s10 =	sld [smem:$0x3FB8];
	_ =	sdelay $0x3  }
0x33: {  	p0 =	seq.s32 s10, $0x1;
	s10 =	sld [smem:$0x3FBA];
	_ =	sdelay $0x3  }
0x34: {  	[smem:$0x3FBA] =	sst s10  }
0x35: {  	s10 =	sld [smem:$0x3FB9];
	_ =	sdelay $0x3  }
0x36: {  	p1 =	seq.s32 s10, $0x1;
	s10 =	sld [smem:$0x3FBA];
	_ =	sdelay $0x3  }
0x37: {  	[smem:$0x3FBA] =	sst s10  }
0x38: {  	s10 =	sld [smem:$0x3FBB]  }
0x39: {  	_ = 	snop;
	(pc) =	sbr.ind lr, $3  }
0x3a: {  	_ = 	snop  }
0x3b: {  	_ = 	snop  }
0x3c: {  	p2 =	seq.s32 s10, $0x1;
	s10 =	sld [smem:$0x3FBA]  }
0x3d: {  	_ =	shalt  }
0x3e: {  	_ =	shalt  }
0x3f: {  	_ =	shalt  }
0x40: {  	_ =	shalt  }
0x41: {  	_ =	shalt  }
0x42: {  	_ =	shalt  }
0x43: {  	_ =	shalt  }
0x44: {  	_ =	shalt  }
0x45: {  	_ =	shalt  }
0x46: {  	_ =	shalt  }
0x47: {  	_ =	shalt  }
0x48: {  	_ =	shalt  }
0x49: {  	_ =	shalt  }
0x4a: {  	_ =	shalt  }
0x4b: {  	_ =	shalt  }
0x4c: {  	_ =	shalt  }
0x4d: {  	_ =	shalt  }
0x4e: {  	_ =	shalt  }
0x4f: {  	_ =	shalt  }
0x50: {  	_ =	shalt  }
0x51: {  	_ =	shalt  }
0x52: {  	_ =	shalt  }
0x53: {  	_ =	shalt  }
0x54: {  	_ =	shalt  }
0x55: {  	_ =	shalt  }
0x56: {  	_ =	shalt  }
0x57: {  	_ =	shalt  }
0x58: {  	_ =	shalt  }
0x59: {  	_ =	shalt  }
0x5a: {  	_ =	shalt  }
0x5b: {  	_ =	shalt  }
0x5c: {  	_ =	shalt  }
0x5d: {  	_ =	shalt  }
0x5e: {  	_ =	shalt  }
0x5f: {  	_ =	shalt  }
0x60: {  	_ =	shalt  }
0x61: {  	_ =	shalt  }
0x62: {  	_ =	shalt  }
0x63: {  	_ =	shalt  }
0x64: {  	_ =	shalt  }
0x65: {  	_ =	shalt  }
0x66: {  	_ =	shalt  }
0x67: {  	_ =	shalt  }
0x68: {  	_ =	shalt  }
0x69: {  	_ =	shalt  }
0x6a: {  	_ =	shalt  }
0x6b: {  	_ =	shalt  }
0x6c: {  	_ =	shalt  }
0x6d: {  	_ =	shalt  }
0x6e: {  	_ =	shalt  }
0x6f: {  	_ =	shalt  }
0x70: {  	_ =	shalt  }
0x71: {  	_ =	shalt  }
0x72: {  	_ =	shalt  }
0x73: {  	_ =	shalt  }
0x74: {  	_ =	shalt  }
0x75: {  	_ =	shalt  }
0x76: {  	_ =	shalt  }
0x77: {  	_ =	shalt  }
0x78: {  	_ =	shalt  }
0x79: {  	_ =	shalt  }
0x7a: {  	_ =	shalt  }
0x7b: {  	_ =	shalt  }
0x7c: {  	_ =	shalt  }
0x7d: {  	_ =	shalt  }
0x7e: {  	_ =	shalt  }
0x7f: {  	_ =	shalt  }
0x80: {  	_ =	shalt  }
0x81: {  	_ =	shalt  }
0x82: {  	_ =	shalt  }
0x83: {  	_ =	shalt  }
0x84: {  	_ =	shalt  }
0x85: {  	_ =	shalt  }
0x86: {  	_ =	shalt  }
0x87: {  	_ =	shalt  }
.Lfunc_end0:
.L_simem_size_0:
called_computation_lowered:
.L_overlay_start_0:
0x88: {  	s2 =	sld [smem:$0x3FD9]  }
0x89: {  	s3 =	sld [smem:$0x3FFE];
	_ =	sdelay $0x1  }
0x8a: {  	s1 =	srdreg.scid  }
0x8b: {  	s0 =	sand.u32 $0x1, s1  }
0x8c: {  	s17 =	sshll.u32 s0, $0xA;
	s2 =	sadd.s32 s3, s2  }
0x8d: {  	s2 =	sadd.s32 s2, s17  }
0x8e: {  	[smem:$0x3FC6] =	sst s2  }
0x8f: {  	_ = 	snop  }
0x90: {  	s2 =	sld [smem:$0x3FC8];
	(tm) =	ssettm $0x1  }
0x91: {  	s18 =	sld [smem:$0x3FFB];
	_ =	sdelay $0x3  }
0x92: {  	_ =	strace s18  }
0x93: {  	s3 =	sld [smem:$0x3FFC];
	_ =	sdelay $0x3  }
0x94: {  	_ =	strace s3  }
0x95: {  	s3 =	sld [smem:$0x3FFD];
	_ =	sdelay $0x3  }
0x96: {  	_ =	strace s3  }
0x97: {  	_ =	strace $0x8FFFFFFF  }
0x98: {  	s19 =	sld [smem:$0x3FDB];
	_ =	sdelay $0x1  }
0x99: {  	s4 =	simm.s32 $_scs_section_size  }
0x9a: {  	s5 =	simm.s32 $_size__tile_overlayer_lowered;
	s6 =	simm.s32 $_tile_overlayer_lowered  }
0x9b: {  	s22 =	simm.s32 $0x1BFF;
	s21 =	sshll.u32 s6, $0x1;
	s3 =	sadd.s32 s4, s19  }
0x9c: {  	s7 =	simm.s32 $0x0;
	s20 =	sshll.u32 s5, $0x1;
	s5 =	sadd.s32 s21, s3  }
0x9d: {  	[timem:s7], [sflag:s22] =	dma.local [hbm:s5], s20  }
0x9e: {  	_ =	swait.ge [sflag:s22], s20  }
0x9f: {  	s4 =	ssub.s32 $0x0, s20;
	[sflag:s22] =	ssyncset.done $0x0  }
0xa0: {  	[sflag:s22] =	ssyncadd.s32 s4;
	_ =	sdelay $0x1  }
0xa1: {  	s23 =	simm.s32 $0x1B8B  }
0xa2: {  	_ =	swait.ge [sflag:s23], $0x1  }
0xa3: {  	[sflag:s23] =	ssyncset.done $0x0  }
0xa4: {  	s25 =	simm.s32 $0x1B8E;
	s24 =	sld [smem:$0x3FFE];
	[sflag:s23] =	ssyncadd.s32 $0xFFFFFFFF  }
0xa5: {  	s26 =	simm.s32 $execute0_lowered;
	[smem:$0x3FD2] =	sst s25  }
0xa6: {  	s5 =	sshll.u32 s26, $0x1;
	_ =	strace $0x80000046;
	[dreg:$0x1] =	wrdreg $0xFFFFFFFF  }
0xa7: {  	s28 =	simm.s32 $_size_execute0_lowered;
	s3 =	sadd.s32 s3, s5;
	[dreg:$0x0] =	wrdreg $0x0  }
0xa8: {  	s5 =	sshll.u32 s28, $0x1;
	[dreg:$0x2] =	wrdreg s3  }
0xa9: {  	[dreg:$0x3] =	wrdreg s5  }
0xaa: {  	[dreg:$0x4] =	wrdreg $0xC0  }
0xab: {  	_ =	task [dreg:s7], $0x5FFFF  }
0xac: {  	[dreg:$0x1] =	wrdreg $0xFFFFFFFF  }
0xad: {  	[dreg:$0x0] =	wrdreg $0x60  }
0xae: {  	[dreg:$0x2] =	wrdreg s24  }
0xaf: {  	[dreg:$0x3] =	wrdreg s2  }
0xb0: {  	[dreg:$0x4] =	wrdreg $0x9  }
0xb1: {  	_ =	task.clear_ibuf [dreg:s7], $0x5FFFF;
	_ =	strace $0x90000046  }
0xb2: {  	s29 =	simm.s32 $0x9;
	_ =	strace $0x80000048  }
0xb3: {  	_ =	swait.ge [sflag:s29], $0x1  }
0xb4: {  	[sflag:s29] =	ssyncadd.s32 $0xFFFFFFFF  }
0xb5: {  	_ =	strace $0x90000048  }
0xb6: {  	_ =	sfence  }
0xb7: {  	s30 =	sld [smem:$0x0];
	_ =	sdelay $0x2  }
0xb8: {  	s31 =	sshll.u32 s1, $0xD;
	s1 =	sshrl.u32 s1, $0x2  }
0xb9: {  	s3 =	sand.u32 $0x4000, s31;
	s1 =	sadd.s32 s1, s30  }
0xba: {  	s0 =	sor.u32 s3, s0;
	s1 =	sshll.u32 s1, $0x11  }
0xbb: {  	s0 =	sor.u32 s1, s0  }
0xbc: {  	s0 =	sadd.s32 $0x8F2B, s0  }
0xbd: {  	[sflag:s0] =	ssyncadd.remote.s32 $0x1  }
0xbe: {  	_ =	sfence.sel $0xFFFF  }
0xbf: {  	[dreg:$0x0] =	wrdreg $0xFFFFFFFF;
	(pc) =	sbr.abs _section_cstart, $3  }
0xc0: {  	[dreg:$0x1] =	wrdreg $0xFFFFFFFF  }
0xc1: {  	_ =	task.clear_ibuf [dreg:s7], $0x2FFFF;
	_ =	strace $0x9FFFFFFF  }
0xc2: {  	(tm) =	ssettm $0x7FFFFFFF  }
0xc3: {  	_ =	shalt  }
tec
execute0_lowered:
.L_overlay_start_1:
0x0: {  	(tag) =	ssettag $0x1  }
0x1: {  	s0 =	rddreg [dreg:$0x0];
	s3 =	simm.s32 $0x0  }
0x2: {  	s1 =	srdreg.scid;
	s2 =	stileid.u32;
	s15 =	simm.s32 $0x1  }
0x3: {  	s17 =	simm.s32 $0x1100;
	s18 =	simm.s32 $0x1980;
	s19 =	simm.s32 $0x2180  }
0x4: {  	s20 =	simm.s32 $0x0;
	[smem:$0x7FF] =	sst s3;
	s1 =	sand.u32 $0x1, s1  }
0x5: {  	s2 =	sshll.u32 s2, $0x1;
	s4 =	sadd.s32 $0xA00, s0;
	s5 =	sadd.s32 $0x800, s0  }
0x6: {  	s6 =	sadd.s32 $0x600, s0;
	_ =	strace $0x80000047;
	s2 =	sor.u32 s1, s2  }
.Ltmp0:
0x7: {  	s1 =	ssub.s32 $0x2, s1;
	s7 =	sshll.u32 s2, $0x4;
	(pc) =	sbr.rel .LBB2_1-.Ltmp0, $4  }
0x8: {  	s8 =	sshrl.u32 s1, $0x1;
	s0 =	sadd.s32 s7, s0;
	s7 =	sor.u32 $0x500, s2  }
0x9: {  	s1 =	ssub.s32 s1, s8;
	s8 =	sadd.s32 $0xC00, s0;
	s31 =	sshrl.u32 s7, $0x4  }
0xa: {  	s9 =	smax.u32 s1, $0x1;
	s11 =	sand.u32 $0x510, s7;
	s10 =	sadd.s32 $0xFFFFFFFF, s31  }
0xb: {  	v0 =	vlaneseq.u32;
	v1 =	vimm.f32 $0.0e+00;
	s12 =	sor.u32 $0x880, s11;
	s13 =	sadd.s32 $0x1100, s11;
	s0 =	sadd.s32 $0x1980, s11  }
.LBB2_10:
0xc: {  	s20 =	sadd.s32 $0x1, s20  }
0xd: {  	p0 =	sne.s32 s20, s9  }
.Ltmp1:
0xe: {  	[tilespmem:$0x2180] =	vst v2;
	(pc) =	sbr.rel @!p0 .LBB2_11-.Ltmp1, $4  }
0xf: {  	[hbm4b:s8+s3] =	stream.linear.scatter [tilespmem:s19], [sflag:$0x1], $0x80, $0x38;
	[tilespmem:$0x2200] =	vst v63  }
0x10: {  	_ =	swait.ge [sflag:s15], $0x80  }
0x11: {  	[sflag:s15] =	ssyncset.done $0x0  }
0x12: {  	[sflag:s15] =	ssyncadd.s32 $0xFFFFFF80  }
.LBB2_1:
0x13: {  	[tilespmem:s3], [sflag:$0x1] =	stream.linear.gather [hbm4b:s4+s3], $0x800, $0x38;
	[tilespmem:$0x2200] =	vst v63  }
0x14: {  	_ =	swait.ge [sflag:s15], $0x800  }
0x15: {  	[sflag:s15] =	ssyncset.done $0x0  }
0x16: {  	s1 =	simm.s32 $0x880;
	[sflag:s15] =	ssyncadd.s32 $0xFFFFF800  }
0x17: {  	[tilespmem:s1], [sflag:$0x1] =	stream.linear.gather [hbm4b:s5+s3], $0x800, $0x38;
	[tilespmem:$0x2200] =	vst v63  }
0x18: {  	_ =	swait.ge [sflag:s15], $0x800  }
0x19: {  	[sflag:s15] =	ssyncset.done $0x0  }
0x1a: {  	[sflag:s15] =	ssyncadd.s32 $0xFFFFF800  }
0x1b: {  	[tilespmem:s17], [sflag:$0x1] =	stream.linear.gather [hbm4b:s6+s3], $0x800, $0x38;
	[tilespmem:$0x2200] =	vst v63  }
0x1c: {  	_ =	swait.ge [sflag:s15], $0x800  }
0x1d: {  	[sflag:s15] =	ssyncset.done $0x0  }
0x1e: {  	[sflag:s15] =	ssyncadd.s32 $0xFFFFF800  }
0x1f: {  	s21 =	smov.u32 s11;
	s31 =	rddreg [dreg:$0x1]  }
0x20: {  	[tilespmem:s18], [sflag:$0x1] =	stream.linear.gather [hbm4b:s31+s3], $0x800, $0x38;
	[tilespmem:$0x2200] =	vst v63  }
0x21: {  	s14 =	smov.u32 s0;
	s23 =	smov.u32 s13;
	_ =	swait.ge [sflag:s15], $0x800  }
0x22: {  	s24 =	smov.u32 s12;
	s25 =	smov.u32 s11;
	[sflag:s15] =	ssyncset.done $0x0  }
0x23: {  	s26 =	smov.u32 s10;
	v2 =	vimm.f32 $0.0e+00;
	s28 =	simm.s32 $0x0;
	[sflag:s15] =	ssyncadd.s32 $0xFFFFF800  }
.LBB2_2:
0x24: {  	v3 =	vld [tilespmem:s23+$0x0]  }
0x25: {  	s1 =	sshll.u32 s28, $0x5;
	v7 =	vld [tilespmem:s25+$0x0]  }
0x26: {  	v8 =	vld [tilespmem:s24+$0x0];
	s1 =	sadd.s32 s7, s1  }
0x27: {  	v4 =	vld.msk [tilespmem:s1+$0x0 ss:$0x0], $0xffff  }
0x28: {  	v6 =	vld.msk [tilespmem:s1+$0x1100 ss:$0x0], $0xffff  }
0x29: {  	v5 =	vld.msk [tilespmem:s1+$0x880 ss:$0x0], $0xffff;
	_ =	sdelay $0x3  }
0x2a: {  	v9 =	vsub.f32 v3, v6;
	v7 =	vsub.f32 v7, v4;
	v3 =	vmov s1;
	s1 =	sadd.s32 $0x1, s26  }
0x2b: {  	v8 =	vsub.f32 v8, v5;
	p2 =	slt.u32 s1, $0x7F  }
.Ltmp2:
0x2c: {  	vm2 =	vge.f32 v9, $1.200000000e+01;
	vm0 =	vge.f32 v7, $1.200000000e+01;
	vm1 =	vlt.f32 v7, $-1.200000000e+01;
	(pc) =	sbr.rel @!p2 .LBB2_3-.Ltmp2, $4  }
0x2d: {  	vm3 =	vge.f32 v8, $1.200000000e+01;
	vm4 =	vlt.f32 v8, $-1.200000000e+01;
	v10 =	vsel vm1, $0x41C00000, v1  }
0x2e: {  	vm1 =	vlt.f32 v9, $-1.200000000e+01;
	v63 =	vsel vm4, $0x41C00000, v1;
	v7 =	vadd.f32 v10, v7  }
0x2f: {  	v11 =	vsel vm0, $0x41C00000, v1;
	v16 =	vadd.f32 v63, v8;
	v8 =	vsel vm1, $0x41C00000, v1  }
0x30: {  	s2 =	sadd.s32 $0x10, s23;
	p0 =	por $0x0, $0x0;
	p1 =	por $0x0, $0x0;
	v12 =	vsel vm3, $0x41C00000, v1;
	v17 =	vadd.f32 v8, v9;
	v15 =	vsub.f32 v7, v11  }
0x31: {  	v7 =	vsub.f32 v16, v12  }
0x32: {  	v8 =	vsel vm2, $0x41C00000, v1  }
0x33: {  	v9 =	vld [tilespmem:s2+$0x0];
	s22 =	sadd.s32 $0x10, s25;
	v8 =	vsub.f32 v17, v8;
	v10 =	vmul.f32 v15, v15;
	v7 =	vmul.f32 v7, v7  }
0x34: {  	s29 =	sadd.s32 $0x10, s24;
	v11 =	vld [tilespmem:s22+$0x0]  }
0x35: {  	v12 =	vld [tilespmem:s29+$0x0];
	v8 =	vmul.f32 v8, v8;
	v7 =	vadd.f32 v7, v10;
	_ =	sdelay $0x1  }
0x36: {  	v7 =	vadd.f32 v8, v7  }
0x37: {  	v9 =	vsub.f32 v9, v6;
	v8 =	vor.u32 s21, v0  }
0x38: {  	v10 =	vsub.f32 v11, v4;
	vm0 =	vlt.f32 v7, $0.0e+00;
	vm1 =	vgt.f32 v7, $0.0e+00  }
0x39: {  	v13 =	vsub.f32 v12, v5;
	vm3 =	vlt.f32 v7, $6.250000000e+00;
	vm0 =	vmor vm1, vm0  }
0x3a: {  	vm2 =	vge.f32 v9, $1.200000000e+01;
	vm1 =	vgt.u32 v8, v3;
	vm0 =	vmand vm3, vm0  }
0x3b: {  	s1 =	sadd.s32 $0x1, s1;
	vm4 =	vge.f32 v13, $1.200000000e+01;
	vm5 =	vlt.f32 v10, $-1.200000000e+01;
	vm0 =	vmand vm1, vm0  }
0x3c: {  	p2 =	slt.u32 s1, $0x7F;
	vm6 =	vlt.f32 v13, $-1.200000000e+01;
	v12 =	vsel vm4, $0x41C00000, v1;
	v7 =	vnsel vm0, $0x3F800000, v7  }
.Ltmp3:
0x3d: {  	vm3 =	vge.f32 v10, $1.200000000e+01;
	v8 =	vshra.s32 v7, $0x1;
	v7 =	vmul.f32 $5.000000000e-01, v7;
	(pc) =	sbr.rel @!p2 .LBB2_5-.Ltmp3, $4  }
0x3e: {  	vm1 =	vlt.f32 v9, $-1.200000000e+01;
	v11 =	vsub.s32 $0x5F3759DF, v8;
	v8 =	vsel vm5, $0x41C00000, v1  }
0x3f: {  	v14 =	vmul.f32 v11, v7;
	v8 =	vadd.f32 v8, v10;
	v10 =	vsel vm6, $0x41C00000, v1  }
0x40: {  	v15 =	vsel vm3, $0x41C00000, v1;
	v16 =	vadd.f32 v10, v13;
	v10 =	vsel vm1, $0x41C00000, v1  }
0x41: {  	s16 =	sadd.s32 $0x10, s2;
	p0 =	por $0x1, $0x1;
	v14 =	vmul.f32 v11, v14;
	v15 =	vsub.f32 v8, v15;
	v17 =	vadd.f32 v10, v9;
	v10 =	vld [tilespmem:s14+$0x0]  }
0x42: {  	_ = 	snop  }
0x43: {  	v8 =	vld [tilespmem:s16+$0x0];
	v9 =	vsub.f32 v16, v12;
	s30 =	sadd.s32 $0x10, s22;
	v12 =	vsub.f32 $1.500000000e+00, v14  }
0x44: {  	v13 =	vsel vm2, $0x41C00000, v1;
	s31 =	sadd.s32 $0x10, s29;
	v14 =	vld [tilespmem:s30+$0x0];
	v15 =	vmul.f32 v15, v15  }
0x45: {  	s29 =	sadd.s32 $0x10, s21;
	v13 =	vsub.f32 v17, v13;
	v16 =	vld [tilespmem:s31+$0x0];
	v9 =	vmul.f32 v9, v9;
	v11 =	vmul.f32 v11, v12  }
0x46: {  	v12 =	vor.u32 s29, v0  }
0x47: {  	v13 =	vmul.f32 v13, v13;
	v9 =	vadd.f32 v9, v15;
	v15 =	vmul.f32 v11, v7  }
0x48: {  	vm1 =	vmmov vm0;
	vm3 =	vgt.u32 v12, v3;
	v12 =	vmul.f32 $-1.440033440e+01, v10  }
0x49: {  	v17 =	vsub.f32 v8, v6;
	v9 =	vadd.f32 v13, v9;
	v13 =	vmul.f32 v15, v11  }
0x4a: {  	v14 =	vsub.f32 v14, v4;
	v8 =	vmul.f32 v12, v10;
	v15 =	vsub.f32 v16, v5  }
0x4b: {  	vm0 =	vlt.f32 v9, $0.0e+00;
	vm4 =	vgt.f32 v9, $0.0e+00;
	v10 =	vsub.f32 $1.500000000e+00, v13  }
0x4c: {  	vm2 =	vge.f32 v17, $1.200000000e+01;
	vm5 =	vlt.f32 v9, $6.250000000e+00;
	vm0 =	vmor vm4, vm0  }
0x4d: {  	vm6 =	vlt.f32 v17, $-1.200000000e+01;
	vm0 =	vmand vm5, vm0;
	v13 =	vmul.f32 v10, v11  }
0x4e: {  	vm14 =	vge.f32 v14, $1.200000000e+01;
	vm15 =	vge.f32 v15, $1.200000000e+01;
	vm0 =	vmand vm3, vm0  }
0x4f: {  	s2 =	sadd.s32 $0x1, s1;
	vm7 =	vlt.f32 v15, $-1.200000000e+01;
	v9 =	vnsel vm0, $0x3F800000, v9;
	v10 =	vmul.f32 v13, v7  }
0x50: {  	p2 =	slt.u32 s2, $0x7F;
	v12 =	vsel vm15, $0x41C00000, v1;
	v11 =	vshra.s32 v9, $0x1;
	v7 =	vmul.f32 $5.000000000e-01, v9  }
.Ltmp4:
0x51: {  	vm3 =	vlt.f32 v14, $-1.200000000e+01;
	v11 =	vsub.s32 $0x5F3759DF, v11;
	v10 =	vmul.f32 v10, v13;
	(pc) =	sbr.rel @!p2 .LBB2_7-.Ltmp4, $4  }
0x52: {  	v16 =	vsel vm3, $0x41C00000, v1;
	v9 =	vsel vm14, $0x41C00000, v1;
	v18 =	vmul.f32 v11, v7  }
0x53: {  	v19 =	vadd.f32 v16, v14;
	v14 =	vsel vm7, $0x41C00000, v1;
	v20 =	vsub.f32 $1.500000000e+00, v10  }
0x54: {  	s22 =	sadd.s32 $0x10, s14;
	v16 =	vadd.f32 v14, v15;
	v10 =	vsel vm6, $0x41C00000, v1;
	v14 =	vmul.f32 v11, v18  }
0x55: {  	s1 =	sadd.s32 $0x10, s16;
	p1 =	por $0x1, $0x1;
	v15 =	vsub.f32 v19, v9;
	v9 =	vmovc v2;
	v17 =	vadd.f32 v10, v17;
	v10 =	vld [tilespmem:s22+$0x0];
	v13 =	vmul.f32 v20, v13  }
.LBB2_8:
0x56: {  	v18 =	vld [tilespmem:s1+$0x0];
	v12 =	vsub.f32 v16, v12;
	v16 =	vsel vm2, $0x41C00000, v1;
	s30 =	sadd.s32 $0x10, s30;
	v14 =	vsub.f32 $1.500000000e+00, v14  }
0x57: {  	s31 =	sadd.s32 $0x10, s31;
	v19 =	vld [tilespmem:s30+$0x0];
	v16 =	vsub.f32 v17, v16;
	v15 =	vmul.f32 v15, v15;
	v8 =	vmul.f32 v13, v8  }
0x58: {  	s29 =	sadd.s32 $0x10, s29;
	v13 =	vld [tilespmem:s31+$0x0];
	v12 =	vmul.f32 v12, v12;
	v11 =	vmul.f32 v11, v14  }
0x59: {  	v14 =	vor.u32 s29, v0;
	v16 =	vmul.f32 v16, v16;
	v8 =	vnsel vm1, $0x0, v8  }
0x5a: {  	v12 =	vadd.f32 v12, v15;
	v15 =	vmul.f32 v11, v7;
	v9 =	vadd.f32 v8, v9  }
0x5b: {  	vm3 =	vgt.u32 v14, v3;
	vm1 =	vmmov vm0;
	v8 =	vmul.f32 $-1.440033440e+01, v10  }
0x5c: {  	v17 =	vsub.f32 v18, v6;
	v12 =	vadd.f32 v16, v12;
	v14 =	vmul.f32 v15, v11  }
0x5d: {  	v15 =	vsub.f32 v19, v4;
	v8 =	vmul.f32 v8, v10;
	v13 =	vsub.f32 v13, v5  }
0x5e: {  	s2 =	sadd.s32 $0x1, s2;
	vm0 =	vlt.f32 v12, $0.0e+00;
	vm4 =	vgt.f32 v12, $0.0e+00;
	v10 =	vsub.f32 $1.500000000e+00, v14  }
0x5f: {  	p2 =	slt.u32 s2, $0x7F;
	vm2 =	vge.f32 v17, $1.200000000e+01;
	vm5 =	vlt.f32 v12, $6.250000000e+00;
	vm0 =	vmor vm4, vm0  }
0x60: {  	vm4 =	vge.f32 v15, $1.200000000e+01;
	vm0 =	vmand vm5, vm0;
	v18 =	vmul.f32 v10, v11  }
0x61: {  	vm6 =	vlt.f32 v17, $-1.200000000e+01;
	vm5 =	vge.f32 v13, $1.200000000e+01;
	vm0 =	vmand vm3, vm0  }
0x62: {  	vm3 =	vlt.f32 v15, $-1.200000000e+01;
	v10 =	vnsel vm0, $0x3F800000, v12;
	v12 =	vmul.f32 v18, v7  }
0x63: {  	vm7 =	vlt.f32 v13, $-1.200000000e+01;
	v11 =	vshra.s32 v10, $0x1;
	v7 =	vmul.f32 $5.000000000e-01, v10  }
.Ltmp5:
0x64: {  	v10 =	vsel vm4, $0x41C00000, v1;
	v11 =	vsub.s32 $0x5F3759DF, v11;
	v14 =	vmul.f32 v12, v18;
	(pc) =	sbr.rel @p2 .LBB2_8-.Ltmp5, $4  }
0x65: {  	v16 =	vsel vm3, $0x41C00000, v1;
	v12 =	vsel vm5, $0x41C00000, v1;
	v19 =	vmul.f32 v11, v7  }
0x66: {  	v15 =	vadd.f32 v16, v15;
	v16 =	vsel vm7, $0x41C00000, v1;
	v20 =	vsub.f32 $1.500000000e+00, v14  }
0x67: {  	s22 =	sadd.s32 $0x10, s22;
	v16 =	vadd.f32 v16, v13;
	v13 =	vsel vm6, $0x41C00000, v1;
	v14 =	vmul.f32 v11, v19  }
0x68: {  	s1 =	sadd.s32 $0x10, s1;
	v15 =	vsub.f32 v15, v10;
	v17 =	vadd.f32 v13, v17;
	v10 =	vld [tilespmem:s22+$0x0];
	v13 =	vmul.f32 v20, v18  }
.LBB2_9:
0x69: {  	v4 =	vsub.f32 v16, v12  }
0x6a: {  	v5 =	vsel vm2, $0x41C00000, v1  }
0x6b: {  	v5 =	vsub.f32 v17, v5;
	v6 =	vmul.f32 v15, v15;
	v4 =	vmul.f32 v4, v4;
	_ =	sdelay $0x1  }
0x6c: {  	v5 =	vmul.f32 v5, v5;
	v4 =	vadd.f32 v4, v6;
	_ =	sdelay $0x1  }
0x6d: {  	v4 =	vadd.f32 v5, v4  }
0x6e: {  	s1 =	sadd.s32 @p0 $0x10, s29;
	s2 =	smov.u32 s21  }
0x6f: {  	s2 =	smov.u32 @p0 s1;
	vm13 =	vlt.f32 v4, $0.0e+00;
	vm3 =	vgt.f32 v4, $0.0e+00  }
0x70: {  	v57 =	vor.u32 s2, v0;
	vm4 =	vlt.f32 v4, $6.250000000e+00;
	vm2 =	vmor vm3, vm13  }
0x71: {  	vm14 =	vgt.u32 v57, v3;
	vm2 =	vmand vm4, vm2  }
0x72: {  	vm2 =	vmand vm14, vm2  }
0x73: {  	v3 =	vnsel vm2, $0x3F800000, v4  }
0x74: {  	v4 =	vshra.s32 v3, $0x1;
	v3 =	vmul.f32 $5.000000000e-01, v3  }
0x75: {  	v5 =	vsub.f32 @p0 $1.500000000e+00, v14;
	v4 =	vsub.s32 $0x5F3759DF, v4  }
0x76: {  	v58 =	vmul.f32 v4, v3  }
0x77: {  	v5 =	vmul.f32 @p0 v11, v5  }
0x78: {  	v6 =	vmul.f32 v4, v58  }
0x79: {  	v11 =	vmul.f32 @p0 v5, v7  }
0x7a: {  	v6 =	vsub.f32 $1.500000000e+00, v6  }
0x7b: {  	v11 =	vmul.f32 @p0 v11, v5  }
0x7c: {  	v4 =	vmul.f32 v4, v6  }
0x7d: {  	v6 =	vsub.f32 @p0 $1.500000000e+00, v11  }
0x7e: {  	v59 =	vmul.f32 v4, v3  }
0x7f: {  	v5 =	vmul.f32 @p0 v6, v5  }
0x80: {  	v60 =	vmul.f32 v59, v4  }
0x81: {  	v7 =	vmul.f32 @p0 v5, v7  }
0x82: {  	v6 =	vsub.f32 $1.500000000e+00, v60  }
0x83: {  	v7 =	vmul.f32 @p0 v7, v5  }
0x84: {  	v4 =	vmul.f32 v6, v4  }
0x85: {  	v6 =	vmul.f32 @p0 $-1.440033440e+01, v10;
	v7 =	vsub.f32 @p0 $1.500000000e+00, v7  }
0x86: {  	s1 =	sadd.s32 @p0 $0x10, s22;
	v8 =	vmul.f32 @p1 v13, v8;
	s2 =	smov.u32 s14;
	v3 =	vmul.f32 v4, v3  }
0x87: {  	s2 =	smov.u32 @p0 s1;
	v6 =	vmul.f32 @p0 v6, v10;
	v5 =	vmul.f32 @p0 v7, v5  }
0x88: {  	vm0 =	vmmov @p0 vm0;
	v61 =	vld [tilespmem:s2+$0x0];
	v3 =	vmul.f32 v3, v4  }
0x89: {  	v7 =	vnsel @p1 vm1, $0x0, v8;
	v6 =	vpsel p0, v6, v0;
	v5 =	vpsel p0, v5, v0  }
0x8a: {  	v7 =	vadd.f32 @p1 v7, v9;
	v5 =	vmul.f32 @p0 v5, v6;
	v3 =	vsub.f32 $1.500000000e+00, v3  }
0x8b: {  	vm0 =	vmmov @p0 vm0  }
0x8c: {  	v5 =	vnsel @p0 vm0, $0x0, v5;
	v3 =	vmul.f32 v3, v4;
	v4 =	vpsel p1, v7, v2  }
0x8d: {  	v62 =	vmul.f32 $-1.440033440e+01, v61;
	v4 =	vadd.f32 @p0 v5, v4  }
0x8e: {  	s28 =	sadd.s32 $0x1, s28  }
0x8f: {  	v63 =	vmul.f32 v62, v61;
	v2 =	vpsel p0, v4, v2;
	p0 =	sne.s32 s28, $0x18  }
.Ltmp6:
0x90: {  	_ = 	snop;
	(pc) =	sbr.rel @p0 .LBB2_2-.Ltmp6, $4  }
.Ltmp7:
0x91: {  	v3 =	vmul.f32 v3, v63;
	(pc) =	sbr.rel @!p0 .LBB2_10-.Ltmp7, $4  }
0x92: {  	vm15 =	vmmov vm2  }
0x93: {  	s26 =	sadd.s32 $0x2, s26;
	s25 =	sadd.s32 $0x20, s25;
	s24 =	sadd.s32 $0x20, s24;
	v3 =	vnsel vm15, $0x0, v3  }
0x94: {  	s23 =	sadd.s32 $0x20, s23;
	s21 =	sadd.s32 $0x20, s21;
	s14 =	sadd.s32 $0x20, s14;
	v2 =	vadd.f32 v3, v2  }
0x95: {  	_ = 	snop  }
.LBB2_3:
.Ltmp8:
0x96: {  	(pc) =	sbr.rel .LBB2_9-.Ltmp8, $2  }
0x97: {  	_ =	sdelay $0x2  }
0x98: {  	s29 =	smov.u32 s21;
	v9 =	vmov v2;
	s22 =	smov.u32 s14  }
.LBB2_5:
.Ltmp9:
0x99: {  	(pc) =	sbr.rel .LBB2_9-.Ltmp9, $2  }
0x9a: {  	_ =	sdelay $0x2  }
0x9b: {  	s29 =	smov.u32 s21;
	v9 =	vmov v2;
	s22 =	smov.u32 s14  }
.LBB2_7:
.Ltmp10:
0x9c: {  	(pc) =	sbr.rel .LBB2_9-.Ltmp10, $2  }
0x9d: {  	_ =	sdelay $0x2  }
0x9e: {  	v9 =	vmov v2  }
.LBB2_11:
0x9f: {  	_ =	sfence.sel $0x180000  }
0xa0: {  	[bflag:$0x0] =	sbarrier.arrive $0xFFFF  }
0xa1: {  	_ =	strace $0x90000047  }
0xa2: {  	s0 =	stileid.u32;
	[bflag:$0x2] =	sbarrier.arrive $0xFFFF  }
0xa3: {  	p0 =	sne.s32 s0, $0x0;
	s0 =	rddreg [dreg:$0x2]  }
0xa4: {  	s0 =	sadd.s32 @!p0 $0x100000, s0  }
0xa5: {  	[sflag:s0] =	ssyncadd.tile.s32 @!p0 $0x1;
	_ =	shalt  }
.Lfunc_end2:
_tile_overlayer_lowered:
.L_overlay_start_2:
0xa6: {  	(tag) =	ssettag $0x2  }
0xa7: {  	s0 =	rddreg [dreg:$0x0];
	s2 =	stileid.u32  }
0xa8: {  	s1 =	rddreg [dreg:$0x1];
	p0 =	sne.s32 s2, $0x0  }
0xa9: {  	s3 =	rddreg [dreg:$0x2];
	[bflag:$0x3] =	sbarrier.arrive $0xFFFF;
	s2 =	simm.s32 @!p0 $0x1C01  }
0xaa: {  	[timem:s3], [sflag:s2] =	dma.local @!p0 [hbm:s0], s1  }
0xab: {  	s0 =	simm.s32 @!p0 $0x1  }
0xac: {  	_ =	swait.ge @!p0 [sflag:s0], s1  }
0xad: {  	s1 =	ssub.s32 @!p0 $0x0, s1;
	[sflag:s0] =	ssyncset.done @!p0 $0x0  }
0xae: {  	[sflag:s0] =	ssyncadd.s32 @!p0 s1  }
0xaf: {  	[bflag:$0x3] =	sbarrier.arrive $0xFFFF  }
0xb0: {  	_ =	shalt  }

</sc_bundles>
